<compile_context>
chip_gen: v7x
topology: tpu7x:2x2x1
jax: 0.10.2.dev20260603
libtpu: 0.0.44.dev20260713+nightly
codegen_flags: <defaults>
</compile_context>

<pallas_src>
import functools

import jax
import jax.numpy as jnp
from jax import lax
from jax.experimental import pallas as pl
from jax.experimental.pallas import tpu as pltpu
from jax.experimental.pallas import tpu_sc as plsc

N_NODES = 10000
N_EDGES = 160000
D = 256
DH = 128
NS = 16
K = 125
CHUNKS = (N_EDGES // NS) // K
PASSES = 2
CP = CHUNKS // PASSES
NPAD = 10240
ROWS_PER_SUB = NPAD // NS


def _sc_aggregate(xa, xb, src3d, dst3d, zeros):
    mesh = plsc.VectorSubcoreMesh(core_axis_name="c", subcore_axis_name="s")

    @functools.partial(
        pl.kernel,
        out_type=(
            jax.ShapeDtypeStruct((NPAD, DH), jnp.float32),
            jax.ShapeDtypeStruct((NPAD, DH), jnp.float32),
        ),
        mesh=mesh,
        scratch_types=[
            pltpu.VMEM((CP, K), jnp.int32),
            pltpu.VMEM((CP, K), jnp.int32),
            pltpu.VMEM((K, DH), jnp.float32),
            pltpu.VMEM((K, DH), jnp.float32),
            pltpu.VMEM_SHARED((NPAD, DH), jnp.float32),
            pltpu.SemaphoreType.DMA,
            pltpu.SemaphoreType.DMA,
        ],
    )
    def agg(xa_hbm, xb_hbm, src_hbm, dst_hbm, z_hbm, oa_hbm, ob_hbm,
            src_v, dst_v, buf0, buf1, acc, sem0, sem1):
        cid = lax.axis_index("c")
        sid = lax.axis_index("s")

        slab = pl.ds(sid * ROWS_PER_SUB, ROWS_PER_SUB)

        pltpu.sync_copy(z_hbm, acc.at[slab])

        def run(x_hbm):
            def start(j, buf, sem):
                pltpu.async_copy(x_hbm.at[src_v.at[j]], buf, sem)

            def finish(buf, sem):
                pltpu.make_async_copy(x_hbm.at[src_v.at[0]], buf, sem).wait()

            def scat(j, buf):
                pltpu.sync_copy(buf, acc.at[dst_v.at[j]], add=True)

            for p in range(PASSES):
                v = sid * PASSES + p
                pltpu.sync_copy(src_hbm.at[v], src_v)
                pltpu.sync_copy(dst_hbm.at[v], dst_v)

                start(0, buf0, sem0)
                if p == 0:
                    plsc.subcore_barrier()

                @pl.loop(0, CP - 2, step=2)
                def _(j):
                    start(j + 1, buf1, sem1)
                    finish(buf0, sem0)
                    scat(j, buf0)
                    start(j + 2, buf0, sem0)
                    finish(buf1, sem1)
                    scat(j + 1, buf1)

                start(CP - 1, buf1, sem1)
                finish(buf0, sem0)
                scat(CP - 2, buf0)
                finish(buf1, sem1)
                scat(CP - 1, buf1)

        @pl.when(cid == 0)
        def _():
            run(xa_hbm)

        @pl.when(cid == 1)
        def _():
            run(xb_hbm)

        plsc.subcore_barrier()

        @pl.when(cid == 0)
        def _():
            pltpu.sync_copy(acc.at[slab], oa_hbm.at[slab])

        @pl.when(cid == 1)
        def _():
            pltpu.sync_copy(acc.at[slab], ob_hbm.at[slab])

    return agg(xa, xb, src3d, dst3d, zeros)


def _tc_matmul(oa, ob, wta, wtb):
    BM = 2000

    def mm(a_ref, b_ref, wa_ref, wb_ref, o_ref):
        a16 = a_ref[...].astype(jnp.bfloat16)
        b16 = b_ref[...].astype(jnp.bfloat16)
        o_ref[...] = (
            jnp.dot(a16, wa_ref[...], preferred_element_type=jnp.float32)
            + jnp.dot(b16, wb_ref[...], preferred_element_type=jnp.float32))

    return pl.pallas_call(
        mm,
        grid=(N_NODES // BM,),
        in_specs=[
            pl.BlockSpec((BM, DH), lambda i: (i, 0)),
            pl.BlockSpec((BM, DH), lambda i: (i, 0)),
            pl.BlockSpec((DH, D), lambda i: (0, 0)),
            pl.BlockSpec((DH, D), lambda i: (0, 0)),
        ],
        out_specs=pl.BlockSpec((BM, D), lambda i: (i, 0)),
        out_shape=jax.ShapeDtypeStruct((N_NODES, D), jnp.float32),
    )(oa, ob, wta, wtb)


def kernel(x, edge_index, W):
    xa = x[:, :DH]
    xb = x[:, DH:]
    src3d = edge_index[0].reshape(NS * PASSES, CP, K)
    dst3d = edge_index[1].reshape(NS * PASSES, CP, K)
    zeros = jnp.zeros((ROWS_PER_SUB, DH), jnp.float32)
    oa, ob = _sc_aggregate(xa, xb, src3d, dst3d, zeros)
    wt = W.T.astype(jnp.bfloat16)
    return _tc_matmul(oa, ob, wt[:DH], wt[DH:])

# --- scband reference (transcript-rebuilt; emitter-appended) ---
"""Pipeline reference for scband-gcnconv-58377195487747 (READ-ONLY COPY).

The authoritative reference and input builder live on the scoring server;
editing this copy changes nothing except your own understanding.
"""

import jax, jax.numpy as jnp
import numpy as np

N_NODES = 10000
N_EDGES = 160000
D_IN = 256
D_OUT = 256


def setup_inputs(seed: int = 0) -> dict:
    key = jax.random.key(seed)
    k1, k2, k3 = jax.random.split(key, 3)
    x = jax.random.normal(k1, (N_NODES, D_IN), dtype=jnp.float32)
    edge_index = jax.random.randint(k2, (2, N_EDGES), 0, N_NODES, dtype=jnp.int32)
    # nn.Linear(in_size, out_size, bias=False) weight: [out_size, in_size]
    W = jax.random.normal(k3, (D_OUT, D_IN), dtype=jnp.float32) * (1.0 / np.sqrt(D_IN))
    return {"x": x, "edge_index": edge_index, "W": W}


def reference(x, edge_index, W):
    # x = self.W(x)  -- linear, no bias
    y = x @ W.T
    # x = spmm_sum(dcsr, x, 0) -- adjacency spmm: out[dst] = sum over edges of y[src]
    src = edge_index[0]
    dst = edge_index[1]
    msgs = jnp.take(y, src, axis=0)
    out = jax.ops.segment_sum(msgs, dst, num_segments=N_NODES)
    return out

if __name__ == "__main__":
    import jax
    _d = setup_inputs()
    print(jax.jit(kernel)(*tuple(_d.values())))

</pallas_src>

<mosaic_0001>
#map = affine_map<(d0, d1) -> (0, 0)>
#map1 = affine_map<(d0, d1) -> (0, 0, 0)>
module attributes {stable_mosaic.version = 14 : i64} {
  func.func @agg(%arg0: i32, %arg1: i32, %arg2: memref<10000x128xf32, #tpu.memory_space<hbm>>, %arg3: memref<10000x128xf32, #tpu.memory_space<hbm>>, %arg4: memref<32x40x125xi32, #tpu.memory_space<hbm>>, %arg5: memref<32x40x125xi32, #tpu.memory_space<hbm>>, %arg6: memref<640x128xf32, #tpu.memory_space<hbm>>, %arg7: memref<10240x128xf32, #tpu.memory_space<hbm>>, %arg8: memref<10240x128xf32, #tpu.memory_space<hbm>>, %arg9: memref<40x125xi32, #tpu.memory_space<vmem>>, %arg10: memref<40x125xi32, #tpu.memory_space<vmem>>, %arg11: memref<125x128xf32, #tpu.memory_space<vmem>>, %arg12: memref<125x128xf32, #tpu.memory_space<vmem>>, %arg13: memref<10240x128xf32, #tpu.memory_space<vmem_shared>>, %arg14: memref<!tpu.dma_semaphore, #tpu.memory_space<semaphore_mem>>, %arg15: memref<!tpu.dma_semaphore, #tpu.memory_space<semaphore_mem>>) attributes {dimension_semantics = [#tpu.dimension_semantics<core_parallel>, #tpu.dimension_semantics<subcore_parallel>], iteration_bounds = array<i64: 2, 16>, scalar_prefetch = 0 : i64, scratch_operands = 7 : i64, tpu.core_type = #tpu.core_type<sc_vector_subcore>, window_params = [{transform_indices = #map}, {transform_indices = #map}, {transform_indices = #map1}, {transform_indices = #map1}, {transform_indices = #map}, {transform_indices = #map}, {transform_indices = #map}]} {
    %mul3A = arith.constant 640 : i32
    %mul3A_0 = arith.muli %arg1, %mul3A : i32
    "tpu.region"() ({
      %run_scoped3A = tpu.sem_alloc : memref<!tpu.dma_semaphore, #tpu.memory_space<semaphore_mem>>
      %dma_start3A = arith.constant 0 : i32
      %dma_start3A_18 = tpu.memref_slice %arg13[%mul3A_0, %dma_start3A] : memref<10240x128xf32, #tpu.memory_space<vmem_shared>> -> memref<640x128xf32, #tpu.memory_space<vmem_shared>>
      tpu.enqueue_dma source(%arg6 : memref<640x128xf32, #tpu.memory_space<hbm>>) target(%dma_start3A_18 : memref<640x128xf32, #tpu.memory_space<vmem_shared>>) target_semaphore(%run_scoped3A : memref<!tpu.dma_semaphore, #tpu.memory_space<semaphore_mem>>)
      %dma_wait3A = arith.constant 0 : i32
      %dma_wait3A_19 = tpu.memref_slice %arg13[%mul3A_0, %dma_wait3A] : memref<10240x128xf32, #tpu.memory_space<vmem_shared>> -> memref<640x128xf32, #tpu.memory_space<vmem_shared>>
      tpu.wait_dma2 semaphore(%run_scoped3A : memref<!tpu.dma_semaphore, #tpu.memory_space<semaphore_mem>>) src(%arg6 : memref<640x128xf32, #tpu.memory_space<hbm>>) dst(%dma_wait3A_19 : memref<640x128xf32, #tpu.memory_space<vmem_shared>>)
      tpu.yield
    }) : () -> ()
    %eq3A = arith.constant 0 : i32
    %eq3A_1 = arith.cmpi eq, %arg0, %eq3A : i32
    %convert_element_type3A = arith.extui %eq3A_1 : i1 to i32
    %cond3A = arith.constant 0 : i32
    %cond3A_2 = arith.cmpi ne, %convert_element_type3A, %cond3A : i32
    scf.if %cond3A_2 {
      %mul3A_18 = arith.constant 2 : i32
      %mul3A_19 = arith.muli %arg1, %mul3A_18 : i32
      %add3A = arith.constant 0 : i32
      %add3A_20 = arith.addi %mul3A_19, %add3A : i32
      "tpu.region"() ({
        %run_scoped3A_92 = tpu.sem_alloc : memref<!tpu.dma_semaphore, #tpu.memory_space<semaphore_mem>>
        %dma_start3A_93 = arith.constant 0 : i32
        %dma_start3A_94 = arith.constant 0 : i32
        %dma_start3A_95 = tpu.memref_slice %arg4[%add3A_20, %dma_start3A_93, %dma_start3A_94] : memref<32x40x125xi32, #tpu.memory_space<hbm>> -> memref<1x40x125xi32, #tpu.memory_space<hbm>>
        %dma_start3A_96 = tpu.memref_squeeze %dma_start3A_95 : memref<1x40x125xi32, #tpu.memory_space<hbm>> -> memref<40x125xi32, #tpu.memory_space<hbm>>
        %dma_start3A_97 = arith.constant 0 : i32
        %dma_start3A_98 = arith.constant 0 : i32
        %dma_start3A_99 = tpu.memref_slice %arg4[%add3A_20, %dma_start3A_97, %dma_start3A_98] : memref<32x40x125xi32, #tpu.memory_space<hbm>> -> memref<1x40x125xi32, #tpu.memory_space<hbm>>
        %dma_start3A_100 = tpu.memref_squeeze %dma_start3A_99 : memref<1x40x125xi32, #tpu.memory_space<hbm>> -> memref<40x125xi32, #tpu.memory_space<hbm>>
        tpu.enqueue_dma source(%dma_start3A_100 : memref<40x125xi32, #tpu.memory_space<hbm>>) target(%arg9 : memref<40x125xi32, #tpu.memory_space<vmem>>) target_semaphore(%run_scoped3A_92 : memref<!tpu.dma_semaphore, #tpu.memory_space<semaphore_mem>>)
        %dma_wait3A_101 = arith.constant 0 : i32
        %dma_wait3A_102 = arith.constant 0 : i32
        %dma_wait3A_103 = tpu.memref_slice %arg4[%add3A_20, %dma_wait3A_101, %dma_wait3A_102] : memref<32x40x125xi32, #tpu.memory_space<hbm>> -> memref<1x40x125xi32, #tpu.memory_space<hbm>>
        %dma_wait3A_104 = tpu.memref_squeeze %dma_wait3A_103 : memref<1x40x125xi32, #tpu.memory_space<hbm>> -> memref<40x125xi32, #tpu.memory_space<hbm>>
        %dma_wait3A_105 = arith.constant 0 : i32
        %dma_wait3A_106 = arith.constant 0 : i32
        %dma_wait3A_107 = tpu.memref_slice %arg4[%add3A_20, %dma_wait3A_105, %dma_wait3A_106] : memref<32x40x125xi32, #tpu.memory_space<hbm>> -> memref<1x40x125xi32, #tpu.memory_space<hbm>>
        %dma_wait3A_108 = tpu.memref_squeeze %dma_wait3A_107 : memref<1x40x125xi32, #tpu.memory_space<hbm>> -> memref<40x125xi32, #tpu.memory_space<hbm>>
        tpu.wait_dma2 semaphore(%run_scoped3A_92 : memref<!tpu.dma_semaphore, #tpu.memory_space<semaphore_mem>>) src(%dma_wait3A_108 : memref<40x125xi32, #tpu.memory_space<hbm>>) dst(%arg9 : memref<40x125xi32, #tpu.memory_space<vmem>>)
        tpu.yield
      }) : () -> ()
      "tpu.region"() ({
        %run_scoped3A_92 = tpu.sem_alloc : memref<!tpu.dma_semaphore, #tpu.memory_space<semaphore_mem>>
        %dma_start3A_93 = arith.constant 0 : i32
        %dma_start3A_94 = arith.constant 0 : i32
        %dma_start3A_95 = tpu.memref_slice %arg5[%add3A_20, %dma_start3A_93, %dma_start3A_94] : memref<32x40x125xi32, #tpu.memory_space<hbm>> -> memref<1x40x125xi32, #tpu.memory_space<hbm>>
        %dma_start3A_96 = tpu.memref_squeeze %dma_start3A_95 : memref<1x40x125xi32, #tpu.memory_space<hbm>> -> memref<40x125xi32, #tpu.memory_space<hbm>>
        %dma_start3A_97 = arith.constant 0 : i32
        %dma_start3A_98 = arith.constant 0 : i32
        %dma_start3A_99 = tpu.memref_slice %arg5[%add3A_20, %dma_start3A_97, %dma_start3A_98] : memref<32x40x125xi32, #tpu.memory_space<hbm>> -> memref<1x40x125xi32, #tpu.memory_space<hbm>>
        %dma_start3A_100 = tpu.memref_squeeze %dma_start3A_99 : memref<1x40x125xi32, #tpu.memory_space<hbm>> -> memref<40x125xi32, #tpu.memory_space<hbm>>
        tpu.enqueue_dma source(%dma_start3A_100 : memref<40x125xi32, #tpu.memory_space<hbm>>) target(%arg10 : memref<40x125xi32, #tpu.memory_space<vmem>>) target_semaphore(%run_scoped3A_92 : memref<!tpu.dma_semaphore, #tpu.memory_space<semaphore_mem>>)
        %dma_wait3A_101 = arith.constant 0 : i32
        %dma_wait3A_102 = arith.constant 0 : i32
        %dma_wait3A_103 = tpu.memref_slice %arg5[%add3A_20, %dma_wait3A_101, %dma_wait3A_102] : memref<32x40x125xi32, #tpu.memory_space<hbm>> -> memref<1x40x125xi32, #tpu.memory_space<hbm>>
        %dma_wait3A_104 = tpu.memref_squeeze %dma_wait3A_103 : memref<1x40x125xi32, #tpu.memory_space<hbm>> -> memref<40x125xi32, #tpu.memory_space<hbm>>
        %dma_wait3A_105 = arith.constant 0 : i32
        %dma_wait3A_106 = arith.constant 0 : i32
        %dma_wait3A_107 = tpu.memref_slice %arg5[%add3A_20, %dma_wait3A_105, %dma_wait3A_106] : memref<32x40x125xi32, #tpu.memory_space<hbm>> -> memref<1x40x125xi32, #tpu.memory_space<hbm>>
        %dma_wait3A_108 = tpu.memref_squeeze %dma_wait3A_107 : memref<1x40x125xi32, #tpu.memory_space<hbm>> -> memref<40x125xi32, #tpu.memory_space<hbm>>
        tpu.wait_dma2 semaphore(%run_scoped3A_92 : memref<!tpu.dma_semaphore, #tpu.memory_space<semaphore_mem>>) src(%dma_wait3A_108 : memref<40x125xi32, #tpu.memory_space<hbm>>) dst(%arg10 : memref<40x125xi32, #tpu.memory_space<vmem>>)
        tpu.yield
      }) : () -> ()
      %dma_start3A = arith.constant 0 : i32
      %dma_start3A_21 = arith.constant 0 : i32
      %dma_start3A_22 = tpu.memref_slice %arg9[%dma_start3A, %dma_start3A_21] : memref<40x125xi32, #tpu.memory_space<vmem>> -> memref<1x125xi32, #tpu.memory_space<vmem>>
      %dma_start3A_23 = tpu.memref_squeeze %dma_start3A_22 : memref<1x125xi32, #tpu.memory_space<vmem>> -> memref<125xi32, #tpu.memory_space<vmem>>
      %dma_start3A_24 = arith.constant 0 : i32
      %dma_start3A_25 = arith.constant 0 : i32
      %dma_start3A_26 = tpu.memref_slice %arg2[%dma_start3A_24, %dma_start3A_25] : memref<10000x128xf32, #tpu.memory_space<hbm>> -> memref<10000x128xf32, #tpu.memory_space<hbm>>
      tpu.enqueue_indirect_dma source(%dma_start3A_26 : memref<10000x128xf32, #tpu.memory_space<hbm>>) target(%arg11 : memref<125x128xf32, #tpu.memory_space<vmem>>) offsets(%dma_start3A_23 : memref<125xi32, #tpu.memory_space<vmem>>) semaphore(%arg14 : memref<!tpu.dma_semaphore, #tpu.memory_space<semaphore_mem>>)
      %barrier3A_27 = arith.constant 0 : index
      tpu.barrier barrier_id(%barrier3A_27)
      %scan3A = arith.constant 0 : i32
      %scan3A_28 = arith.constant 19 : i32
      %scan3A_29 = arith.addi %scan3A, %scan3A_28 : i32
      %scan3A_30 = arith.constant 1 : i32
      scf.for %scan3A_92 = %scan3A to %scan3A_29 step %scan3A_30  : i32 {
        %mul3A_93 = arith.constant 2 : i32
        %mul3A_94 = arith.muli %scan3A_92, %mul3A_93 : i32
        %add3A_95 = arith.constant 0 : i32
        %add3A_96 = arith.addi %add3A_95, %mul3A_94 : i32
        %add3A_97 = arith.constant 1 : i32
        %add3A_98 = arith.addi %add3A_96, %add3A_97 : i32
        %dma_start3A_99 = arith.constant 0 : i32
        %dma_start3A_100 = tpu.memref_slice %arg9[%add3A_98, %dma_start3A_99] : memref<40x125xi32, #tpu.memory_space<vmem>> -> memref<1x125xi32, #tpu.memory_space<vmem>>
        %dma_start3A_101 = tpu.memref_squeeze %dma_start3A_100 : memref<1x125xi32, #tpu.memory_space<vmem>> -> memref<125xi32, #tpu.memory_space<vmem>>
        %dma_start3A_102 = arith.constant 0 : i32
        %dma_start3A_103 = arith.constant 0 : i32
        %dma_start3A_104 = tpu.memref_slice %arg2[%dma_start3A_102, %dma_start3A_103] : memref<10000x128xf32, #tpu.memory_space<hbm>> -> memref<10000x128xf32, #tpu.memory_space<hbm>>
        tpu.enqueue_indirect_dma source(%dma_start3A_104 : memref<10000x128xf32, #tpu.memory_space<hbm>>) target(%arg12 : memref<125x128xf32, #tpu.memory_space<vmem>>) offsets(%dma_start3A_101 : memref<125xi32, #tpu.memory_space<vmem>>) semaphore(%arg15 : memref<!tpu.dma_semaphore, #tpu.memory_space<semaphore_mem>>)
        %dma_wait3A_105 = arith.constant 0 : i32
        %dma_wait3A_106 = arith.constant 0 : i32
        %dma_wait3A_107 = tpu.memref_slice %arg9[%dma_wait3A_105, %dma_wait3A_106] : memref<40x125xi32, #tpu.memory_space<vmem>> -> memref<1x125xi32, #tpu.memory_space<vmem>>
        %dma_wait3A_108 = tpu.memref_squeeze %dma_wait3A_107 : memref<1x125xi32, #tpu.memory_space<vmem>> -> memref<125xi32, #tpu.memory_space<vmem>>
        %dma_wait3A_109 = arith.constant 0 : i32
        %dma_wait3A_110 = arith.constant 0 : i32
        %dma_wait3A_111 = tpu.memref_slice %arg2[%dma_wait3A_109, %dma_wait3A_110] : memref<10000x128xf32, #tpu.memory_space<hbm>> -> memref<10000x128xf32, #tpu.memory_space<hbm>>
        tpu.wait_indirect_dma semaphore(%arg14 : memref<!tpu.dma_semaphore, #tpu.memory_space<semaphore_mem>>) src(%dma_wait3A_111 : memref<10000x128xf32, #tpu.memory_space<hbm>>) dst(%arg11 : memref<125x128xf32, #tpu.memory_space<vmem>>)
        "tpu.region"() ({
          %run_scoped3A_129 = tpu.sem_alloc : memref<!tpu.dma_semaphore, #tpu.memory_space<semaphore_mem>>
          %dma_start3A_130 = arith.constant 0 : i32
          %dma_start3A_131 = tpu.memref_slice %arg10[%add3A_96, %dma_start3A_130] : memref<40x125xi32, #tpu.memory_space<vmem>> -> memref<1x125xi32, #tpu.memory_space<vmem>>
          %dma_start3A_132 = tpu.memref_squeeze %dma_start3A_131 : memref<1x125xi32, #tpu.memory_space<vmem>> -> memref<125xi32, #tpu.memory_space<vmem>>
          %dma_start3A_133 = arith.constant 0 : i32
          %dma_start3A_134 = arith.constant 0 : i32
          %dma_start3A_135 = tpu.memref_slice %arg13[%dma_start3A_133, %dma_start3A_134] : memref<10240x128xf32, #tpu.memory_space<vmem_shared>> -> memref<10240x128xf32, #tpu.memory_space<vmem_shared>>
          tpu.enqueue_indirect_dma source(%arg11 : memref<125x128xf32, #tpu.memory_space<vmem>>) target(%dma_start3A_135 : memref<10240x128xf32, #tpu.memory_space<vmem_shared>>) offsets(%dma_start3A_132 : memref<125xi32, #tpu.memory_space<vmem>>) semaphore(%run_scoped3A_129 : memref<!tpu.dma_semaphore, #tpu.memory_space<semaphore_mem>>) {add = true}
          %dma_wait3A_136 = arith.constant 0 : i32
          %dma_wait3A_137 = tpu.memref_slice %arg10[%add3A_96, %dma_wait3A_136] : memref<40x125xi32, #tpu.memory_space<vmem>> -> memref<1x125xi32, #tpu.memory_space<vmem>>
          %dma_wait3A_138 = tpu.memref_squeeze %dma_wait3A_137 : memref<1x125xi32, #tpu.memory_space<vmem>> -> memref<125xi32, #tpu.memory_space<vmem>>
          %dma_wait3A_139 = arith.constant 0 : i32
          %dma_wait3A_140 = arith.constant 0 : i32
          %dma_wait3A_141 = tpu.memref_slice %arg13[%dma_wait3A_139, %dma_wait3A_140] : memref<10240x128xf32, #tpu.memory_space<vmem_shared>> -> memref<10240x128xf32, #tpu.memory_space<vmem_shared>>
          tpu.wait_indirect_dma semaphore(%run_scoped3A_129 : memref<!tpu.dma_semaphore, #tpu.memory_space<semaphore_mem>>) src(%arg11 : memref<125x128xf32, #tpu.memory_space<vmem>>) dst(%dma_wait3A_141 : memref<10240x128xf32, #tpu.memory_space<vmem_shared>>)
          tpu.yield
        }) : () -> ()
        %add3A_112 = arith.constant 2 : i32
        %add3A_113 = arith.addi %add3A_96, %add3A_112 : i32
        %dma_start3A_114 = arith.constant 0 : i32
        %dma_start3A_115 = tpu.memref_slice %arg9[%add3A_113, %dma_start3A_114] : memref<40x125xi32, #tpu.memory_space<vmem>> -> memref<1x125xi32, #tpu.memory_space<vmem>>
        %dma_start3A_116 = tpu.memref_squeeze %dma_start3A_115 : memref<1x125xi32, #tpu.memory_space<vmem>> -> memref<125xi32, #tpu.memory_space<vmem>>
        %dma_start3A_117 = arith.constant 0 : i32
        %dma_start3A_118 = arith.constant 0 : i32
        %dma_start3A_119 = tpu.memref_slice %arg2[%dma_start3A_117, %dma_start3A_118] : memref<10000x128xf32, #tpu.memory_space<hbm>> -> memref<10000x128xf32, #tpu.memory_space<hbm>>
        tpu.enqueue_indirect_dma source(%dma_start3A_119 : memref<10000x128xf32, #tpu.memory_space<hbm>>) target(%arg11 : memref<125x128xf32, #tpu.memory_space<vmem>>) offsets(%dma_start3A_116 : memref<125xi32, #tpu.memory_space<vmem>>) semaphore(%arg14 : memref<!tpu.dma_semaphore, #tpu.memory_space<semaphore_mem>>)
        %dma_wait3A_120 = arith.constant 0 : i32
        %dma_wait3A_121 = arith.constant 0 : i32
        %dma_wait3A_122 = tpu.memref_slice %arg9[%dma_wait3A_120, %dma_wait3A_121] : memref<40x125xi32, #tpu.memory_space<vmem>> -> memref<1x125xi32, #tpu.memory_space<vmem>>
        %dma_wait3A_123 = tpu.memref_squeeze %dma_wait3A_122 : memref<1x125xi32, #tpu.memory_space<vmem>> -> memref<125xi32, #tpu.memory_space<vmem>>
        %dma_wait3A_124 = arith.constant 0 : i32
        %dma_wait3A_125 = arith.constant 0 : i32
        %dma_wait3A_126 = tpu.memref_slice %arg2[%dma_wait3A_124, %dma_wait3A_125] : memref<10000x128xf32, #tpu.memory_space<hbm>> -> memref<10000x128xf32, #tpu.memory_space<hbm>>
        tpu.wait_indirect_dma semaphore(%arg15 : memref<!tpu.dma_semaphore, #tpu.memory_space<semaphore_mem>>) src(%dma_wait3A_126 : memref<10000x128xf32, #tpu.memory_space<hbm>>) dst(%arg12 : memref<125x128xf32, #tpu.memory_space<vmem>>)
        %add3A_127 = arith.constant 1 : i32
        %add3A_128 = arith.addi %add3A_96, %add3A_127 : i32
        "tpu.region"() ({
          %run_scoped3A_129 = tpu.sem_alloc : memref<!tpu.dma_semaphore, #tpu.memory_space<semaphore_mem>>
          %dma_start3A_130 = arith.constant 0 : i32
          %dma_start3A_131 = tpu.memref_slice %arg10[%add3A_128, %dma_start3A_130] : memref<40x125xi32, #tpu.memory_space<vmem>> -> memref<1x125xi32, #tpu.memory_space<vmem>>
          %dma_start3A_132 = tpu.memref_squeeze %dma_start3A_131 : memref<1x125xi32, #tpu.memory_space<vmem>> -> memref<125xi32, #tpu.memory_space<vmem>>
          %dma_start3A_133 = arith.constant 0 : i32
          %dma_start3A_134 = arith.constant 0 : i32
          %dma_start3A_135 = tpu.memref_slice %arg13[%dma_start3A_133, %dma_start3A_134] : memref<10240x128xf32, #tpu.memory_space<vmem_shared>> -> memref<10240x128xf32, #tpu.memory_space<vmem_shared>>
          tpu.enqueue_indirect_dma source(%arg12 : memref<125x128xf32, #tpu.memory_space<vmem>>) target(%dma_start3A_135 : memref<10240x128xf32, #tpu.memory_space<vmem_shared>>) offsets(%dma_start3A_132 : memref<125xi32, #tpu.memory_space<vmem>>) semaphore(%run_scoped3A_129 : memref<!tpu.dma_semaphore, #tpu.memory_space<semaphore_mem>>) {add = true}
          %dma_wait3A_136 = arith.constant 0 : i32
          %dma_wait3A_137 = tpu.memref_slice %arg10[%add3A_128, %dma_wait3A_136] : memref<40x125xi32, #tpu.memory_space<vmem>> -> memref<1x125xi32, #tpu.memory_space<vmem>>
          %dma_wait3A_138 = tpu.memref_squeeze %dma_wait3A_137 : memref<1x125xi32, #tpu.memory_space<vmem>> -> memref<125xi32, #tpu.memory_space<vmem>>
          %dma_wait3A_139 = arith.constant 0 : i32
          %dma_wait3A_140 = arith.constant 0 : i32
          %dma_wait3A_141 = tpu.memref_slice %arg13[%dma_wait3A_139, %dma_wait3A_140] : memref<10240x128xf32, #tpu.memory_space<vmem_shared>> -> memref<10240x128xf32, #tpu.memory_space<vmem_shared>>
          tpu.wait_indirect_dma semaphore(%run_scoped3A_129 : memref<!tpu.dma_semaphore, #tpu.memory_space<semaphore_mem>>) src(%arg12 : memref<125x128xf32, #tpu.memory_space<vmem>>) dst(%dma_wait3A_141 : memref<10240x128xf32, #tpu.memory_space<vmem_shared>>)
          tpu.yield
        }) : () -> ()
      }
      %scan3A_31 = arith.constant 19 : i32
      %dma_start3A_32 = arith.constant 39 : i32
      %dma_start3A_33 = arith.constant 0 : i32
      %dma_start3A_34 = tpu.memref_slice %arg9[%dma_start3A_32, %dma_start3A_33] : memref<40x125xi32, #tpu.memory_space<vmem>> -> memref<1x125xi32, #tpu.memory_space<vmem>>
      %dma_start3A_35 = tpu.memref_squeeze %dma_start3A_34 : memref<1x125xi32, #tpu.memory_space<vmem>> -> memref<125xi32, #tpu.memory_space<vmem>>
      %dma_start3A_36 = arith.constant 0 : i32
      %dma_start3A_37 = arith.constant 0 : i32
      %dma_start3A_38 = tpu.memref_slice %arg2[%dma_start3A_36, %dma_start3A_37] : memref<10000x128xf32, #tpu.memory_space<hbm>> -> memref<10000x128xf32, #tpu.memory_space<hbm>>
      tpu.enqueue_indirect_dma source(%dma_start3A_38 : memref<10000x128xf32, #tpu.memory_space<hbm>>) target(%arg12 : memref<125x128xf32, #tpu.memory_space<vmem>>) offsets(%dma_start3A_35 : memref<125xi32, #tpu.memory_space<vmem>>) semaphore(%arg15 : memref<!tpu.dma_semaphore, #tpu.memory_space<semaphore_mem>>)
      %dma_wait3A = arith.constant 0 : i32
      %dma_wait3A_39 = arith.constant 0 : i32
      %dma_wait3A_40 = tpu.memref_slice %arg9[%dma_wait3A, %dma_wait3A_39] : memref<40x125xi32, #tpu.memory_space<vmem>> -> memref<1x125xi32, #tpu.memory_space<vmem>>
      %dma_wait3A_41 = tpu.memref_squeeze %dma_wait3A_40 : memref<1x125xi32, #tpu.memory_space<vmem>> -> memref<125xi32, #tpu.memory_space<vmem>>
      %dma_wait3A_42 = arith.constant 0 : i32
      %dma_wait3A_43 = arith.constant 0 : i32
      %dma_wait3A_44 = tpu.memref_slice %arg2[%dma_wait3A_42, %dma_wait3A_43] : memref<10000x128xf32, #tpu.memory_space<hbm>> -> memref<10000x128xf32, #tpu.memory_space<hbm>>
      tpu.wait_indirect_dma semaphore(%arg14 : memref<!tpu.dma_semaphore, #tpu.memory_space<semaphore_mem>>) src(%dma_wait3A_44 : memref<10000x128xf32, #tpu.memory_space<hbm>>) dst(%arg11 : memref<125x128xf32, #tpu.memory_space<vmem>>)
      %run_scoped3A = arith.constant 38 : i32
      "tpu.region"() ({
        %run_scoped3A_92 = tpu.sem_alloc : memref<!tpu.dma_semaphore, #tpu.memory_space<semaphore_mem>>
        %dma_start3A_93 = arith.constant 0 : i32
        %dma_start3A_94 = tpu.memref_slice %arg10[%run_scoped3A, %dma_start3A_93] : memref<40x125xi32, #tpu.memory_space<vmem>> -> memref<1x125xi32, #tpu.memory_space<vmem>>
        %dma_start3A_95 = tpu.memref_squeeze %dma_start3A_94 : memref<1x125xi32, #tpu.memory_space<vmem>> -> memref<125xi32, #tpu.memory_space<vmem>>
        %dma_start3A_96 = arith.constant 0 : i32
        %dma_start3A_97 = arith.constant 0 : i32
        %dma_start3A_98 = tpu.memref_slice %arg13[%dma_start3A_96, %dma_start3A_97] : memref<10240x128xf32, #tpu.memory_space<vmem_shared>> -> memref<10240x128xf32, #tpu.memory_space<vmem_shared>>
        tpu.enqueue_indirect_dma source(%arg11 : memref<125x128xf32, #tpu.memory_space<vmem>>) target(%dma_start3A_98 : memref<10240x128xf32, #tpu.memory_space<vmem_shared>>) offsets(%dma_start3A_95 : memref<125xi32, #tpu.memory_space<vmem>>) semaphore(%run_scoped3A_92 : memref<!tpu.dma_semaphore, #tpu.memory_space<semaphore_mem>>) {add = true}
        %dma_wait3A_99 = arith.constant 0 : i32
        %dma_wait3A_100 = tpu.memref_slice %arg10[%run_scoped3A, %dma_wait3A_99] : memref<40x125xi32, #tpu.memory_space<vmem>> -> memref<1x125xi32, #tpu.memory_space<vmem>>
        %dma_wait3A_101 = tpu.memref_squeeze %dma_wait3A_100 : memref<1x125xi32, #tpu.memory_space<vmem>> -> memref<125xi32, #tpu.memory_space<vmem>>
        %dma_wait3A_102 = arith.constant 0 : i32
        %dma_wait3A_103 = arith.constant 0 : i32
        %dma_wait3A_104 = tpu.memref_slice %arg13[%dma_wait3A_102, %dma_wait3A_103] : memref<10240x128xf32, #tpu.memory_space<vmem_shared>> -> memref<10240x128xf32, #tpu.memory_space<vmem_shared>>
        tpu.wait_indirect_dma semaphore(%run_scoped3A_92 : memref<!tpu.dma_semaphore, #tpu.memory_space<semaphore_mem>>) src(%arg11 : memref<125x128xf32, #tpu.memory_space<vmem>>) dst(%dma_wait3A_104 : memref<10240x128xf32, #tpu.memory_space<vmem_shared>>)
        tpu.yield
      }) : () -> ()
      %dma_wait3A_45 = arith.constant 0 : i32
      %dma_wait3A_46 = arith.constant 0 : i32
      %dma_wait3A_47 = tpu.memref_slice %arg9[%dma_wait3A_45, %dma_wait3A_46] : memref<40x125xi32, #tpu.memory_space<vmem>> -> memref<1x125xi32, #tpu.memory_space<vmem>>
      %dma_wait3A_48 = tpu.memref_squeeze %dma_wait3A_47 : memref<1x125xi32, #tpu.memory_space<vmem>> -> memref<125xi32, #tpu.memory_space<vmem>>
      %dma_wait3A_49 = arith.constant 0 : i32
      %dma_wait3A_50 = arith.constant 0 : i32
      %dma_wait3A_51 = tpu.memref_slice %arg2[%dma_wait3A_49, %dma_wait3A_50] : memref<10000x128xf32, #tpu.memory_space<hbm>> -> memref<10000x128xf32, #tpu.memory_space<hbm>>
      tpu.wait_indirect_dma semaphore(%arg15 : memref<!tpu.dma_semaphore, #tpu.memory_space<semaphore_mem>>) src(%dma_wait3A_51 : memref<10000x128xf32, #tpu.memory_space<hbm>>) dst(%arg12 : memref<125x128xf32, #tpu.memory_space<vmem>>)
      %run_scoped3A_52 = arith.constant 39 : i32
      "tpu.region"() ({
        %run_scoped3A_92 = tpu.sem_alloc : memref<!tpu.dma_semaphore, #tpu.memory_space<semaphore_mem>>
        %dma_start3A_93 = arith.constant 0 : i32
        %dma_start3A_94 = tpu.memref_slice %arg10[%run_scoped3A_52, %dma_start3A_93] : memref<40x125xi32, #tpu.memory_space<vmem>> -> memref<1x125xi32, #tpu.memory_space<vmem>>
        %dma_start3A_95 = tpu.memref_squeeze %dma_start3A_94 : memref<1x125xi32, #tpu.memory_space<vmem>> -> memref<125xi32, #tpu.memory_space<vmem>>
        %dma_start3A_96 = arith.constant 0 : i32
        %dma_start3A_97 = arith.constant 0 : i32
        %dma_start3A_98 = tpu.memref_slice %arg13[%dma_start3A_96, %dma_start3A_97] : memref<10240x128xf32, #tpu.memory_space<vmem_shared>> -> memref<10240x128xf32, #tpu.memory_space<vmem_shared>>
        tpu.enqueue_indirect_dma source(%arg12 : memref<125x128xf32, #tpu.memory_space<vmem>>) target(%dma_start3A_98 : memref<10240x128xf32, #tpu.memory_space<vmem_shared>>) offsets(%dma_start3A_95 : memref<125xi32, #tpu.memory_space<vmem>>) semaphore(%run_scoped3A_92 : memref<!tpu.dma_semaphore, #tpu.memory_space<semaphore_mem>>) {add = true}
        %dma_wait3A_99 = arith.constant 0 : i32
        %dma_wait3A_100 = tpu.memref_slice %arg10[%run_scoped3A_52, %dma_wait3A_99] : memref<40x125xi32, #tpu.memory_space<vmem>> -> memref<1x125xi32, #tpu.memory_space<vmem>>
        %dma_wait3A_101 = tpu.memref_squeeze %dma_wait3A_100 : memref<1x125xi32, #tpu.memory_space<vmem>> -> memref<125xi32, #tpu.memory_space<vmem>>
        %dma_wait3A_102 = arith.constant 0 : i32
        %dma_wait3A_103 = arith.constant 0 : i32
        %dma_wait3A_104 = tpu.memref_slice %arg13[%dma_wait3A_102, %dma_wait3A_103] : memref<10240x128xf32, #tpu.memory_space<vmem_shared>> -> memref<10240x128xf32, #tpu.memory_space<vmem_shared>>
        tpu.wait_indirect_dma semaphore(%run_scoped3A_92 : memref<!tpu.dma_semaphore, #tpu.memory_space<semaphore_mem>>) src(%arg12 : memref<125x128xf32, #tpu.memory_space<vmem>>) dst(%dma_wait3A_104 : memref<10240x128xf32, #tpu.memory_space<vmem_shared>>)
        tpu.yield
      }) : () -> ()
      %mul3A_53 = arith.constant 2 : i32
      %mul3A_54 = arith.muli %arg1, %mul3A_53 : i32
      %add3A_55 = arith.constant 1 : i32
      %add3A_56 = arith.addi %mul3A_54, %add3A_55 : i32
      "tpu.region"() ({
        %run_scoped3A_92 = tpu.sem_alloc : memref<!tpu.dma_semaphore, #tpu.memory_space<semaphore_mem>>
        %dma_start3A_93 = arith.constant 0 : i32
        %dma_start3A_94 = arith.constant 0 : i32
        %dma_start3A_95 = tpu.memref_slice %arg4[%add3A_56, %dma_start3A_93, %dma_start3A_94] : memref<32x40x125xi32, #tpu.memory_space<hbm>> -> memref<1x40x125xi32, #tpu.memory_space<hbm>>
        %dma_start3A_96 = tpu.memref_squeeze %dma_start3A_95 : memref<1x40x125xi32, #tpu.memory_space<hbm>> -> memref<40x125xi32, #tpu.memory_space<hbm>>
        %dma_start3A_97 = arith.constant 0 : i32
        %dma_start3A_98 = arith.constant 0 : i32
        %dma_start3A_99 = tpu.memref_slice %arg4[%add3A_56, %dma_start3A_97, %dma_start3A_98] : memref<32x40x125xi32, #tpu.memory_space<hbm>> -> memref<1x40x125xi32, #tpu.memory_space<hbm>>
        %dma_start3A_100 = tpu.memref_squeeze %dma_start3A_99 : memref<1x40x125xi32, #tpu.memory_space<hbm>> -> memref<40x125xi32, #tpu.memory_space<hbm>>
        tpu.enqueue_dma source(%dma_start3A_100 : memref<40x125xi32, #tpu.memory_space<hbm>>) target(%arg9 : memref<40x125xi32, #tpu.memory_space<vmem>>) target_semaphore(%run_scoped3A_92 : memref<!tpu.dma_semaphore, #tpu.memory_space<semaphore_mem>>)
        %dma_wait3A_101 = arith.constant 0 : i32
        %dma_wait3A_102 = arith.constant 0 : i32
        %dma_wait3A_103 = tpu.memref_slice %arg4[%add3A_56, %dma_wait3A_101, %dma_wait3A_102] : memref<32x40x125xi32, #tpu.memory_space<hbm>> -> memref<1x40x125xi32, #tpu.memory_space<hbm>>
        %dma_wait3A_104 = tpu.memref_squeeze %dma_wait3A_103 : memref<1x40x125xi32, #tpu.memory_space<hbm>> -> memref<40x125xi32, #tpu.memory_space<hbm>>
        %dma_wait3A_105 = arith.constant 0 : i32
        %dma_wait3A_106 = arith.constant 0 : i32
        %dma_wait3A_107 = tpu.memref_slice %arg4[%add3A_56, %dma_wait3A_105, %dma_wait3A_106] : memref<32x40x125xi32, #tpu.memory_space<hbm>> -> memref<1x40x125xi32, #tpu.memory_space<hbm>>
        %dma_wait3A_108 = tpu.memref_squeeze %dma_wait3A_107 : memref<1x40x125xi32, #tpu.memory_space<hbm>> -> memref<40x125xi32, #tpu.memory_space<hbm>>
        tpu.wait_dma2 semaphore(%run_scoped3A_92 : memref<!tpu.dma_semaphore, #tpu.memory_space<semaphore_mem>>) src(%dma_wait3A_108 : memref<40x125xi32, #tpu.memory_space<hbm>>) dst(%arg9 : memref<40x125xi32, #tpu.memory_space<vmem>>)
        tpu.yield
      }) : () -> ()
      "tpu.region"() ({
        %run_scoped3A_92 = tpu.sem_alloc : memref<!tpu.dma_semaphore, #tpu.memory_space<semaphore_mem>>
        %dma_start3A_93 = arith.constant 0 : i32
        %dma_start3A_94 = arith.constant 0 : i32
        %dma_start3A_95 = tpu.memref_slice %arg5[%add3A_56, %dma_start3A_93, %dma_start3A_94] : memref<32x40x125xi32, #tpu.memory_space<hbm>> -> memref<1x40x125xi32, #tpu.memory_space<hbm>>
        %dma_start3A_96 = tpu.memref_squeeze %dma_start3A_95 : memref<1x40x125xi32, #tpu.memory_space<hbm>> -> memref<40x125xi32, #tpu.memory_space<hbm>>
        %dma_start3A_97 = arith.constant 0 : i32
        %dma_start3A_98 = arith.constant 0 : i32
        %dma_start3A_99 = tpu.memref_slice %arg5[%add3A_56, %dma_start3A_97, %dma_start3A_98] : memref<32x40x125xi32, #tpu.memory_space<hbm>> -> memref<1x40x125xi32, #tpu.memory_space<hbm>>
        %dma_start3A_100 = tpu.memref_squeeze %dma_start3A_99 : memref<1x40x125xi32, #tpu.memory_space<hbm>> -> memref<40x125xi32, #tpu.memory_space<hbm>>
        tpu.enqueue_dma source(%dma_start3A_100 : memref<40x125xi32, #tpu.memory_space<hbm>>) target(%arg10 : memref<40x125xi32, #tpu.memory_space<vmem>>) target_semaphore(%run_scoped3A_92 : memref<!tpu.dma_semaphore, #tpu.memory_space<semaphore_mem>>)
        %dma_wait3A_101 = arith.constant 0 : i32
        %dma_wait3A_102 = arith.constant 0 : i32
        %dma_wait3A_103 = tpu.memref_slice %arg5[%add3A_56, %dma_wait3A_101, %dma_wait3A_102] : memref<32x40x125xi32, #tpu.memory_space<hbm>> -> memref<1x40x125xi32, #tpu.memory_space<hbm>>
        %dma_wait3A_104 = tpu.memref_squeeze %dma_wait3A_103 : memref<1x40x125xi32, #tpu.memory_space<hbm>> -> memref<40x125xi32, #tpu.memory_space<hbm>>
        %dma_wait3A_105 = arith.constant 0 : i32
        %dma_wait3A_106 = arith.constant 0 : i32
        %dma_wait3A_107 = tpu.memref_slice %arg5[%add3A_56, %dma_wait3A_105, %dma_wait3A_106] : memref<32x40x125xi32, #tpu.memory_space<hbm>> -> memref<1x40x125xi32, #tpu.memory_space<hbm>>
        %dma_wait3A_108 = tpu.memref_squeeze %dma_wait3A_107 : memref<1x40x125xi32, #tpu.memory_space<hbm>> -> memref<40x125xi32, #tpu.memory_space<hbm>>
        tpu.wait_dma2 semaphore(%run_scoped3A_92 : memref<!tpu.dma_semaphore, #tpu.memory_space<semaphore_mem>>) src(%dma_wait3A_108 : memref<40x125xi32, #tpu.memory_space<hbm>>) dst(%arg10 : memref<40x125xi32, #tpu.memory_space<vmem>>)
        tpu.yield
      }) : () -> ()
      %dma_start3A_57 = arith.constant 0 : i32
      %dma_start3A_58 = arith.constant 0 : i32
      %dma_start3A_59 = tpu.memref_slice %arg9[%dma_start3A_57, %dma_start3A_58] : memref<40x125xi32, #tpu.memory_space<vmem>> -> memref<1x125xi32, #tpu.memory_space<vmem>>
      %dma_start3A_60 = tpu.memref_squeeze %dma_start3A_59 : memref<1x125xi32, #tpu.memory_space<vmem>> -> memref<125xi32, #tpu.memory_space<vmem>>
      %dma_start3A_61 = arith.constant 0 : i32
      %dma_start3A_62 = arith.constant 0 : i32
      %dma_start3A_63 = tpu.memref_slice %arg2[%dma_start3A_61, %dma_start3A_62] : memref<10000x128xf32, #tpu.memory_space<hbm>> -> memref<10000x128xf32, #tpu.memory_space<hbm>>
      tpu.enqueue_indirect_dma source(%dma_start3A_63 : memref<10000x128xf32, #tpu.memory_space<hbm>>) target(%arg11 : memref<125x128xf32, #tpu.memory_space<vmem>>) offsets(%dma_start3A_60 : memref<125xi32, #tpu.memory_space<vmem>>) semaphore(%arg14 : memref<!tpu.dma_semaphore, #tpu.memory_space<semaphore_mem>>)
      %scan3A_64 = arith.constant 0 : i32
      %scan3A_65 = arith.constant 19 : i32
      %scan3A_66 = arith.addi %scan3A_64, %scan3A_65 : i32
      %scan3A_67 = arith.constant 1 : i32
      scf.for %scan3A_92 = %scan3A_64 to %scan3A_66 step %scan3A_67  : i32 {
        %mul3A_93 = arith.constant 2 : i32
        %mul3A_94 = arith.muli %scan3A_92, %mul3A_93 : i32
        %add3A_95 = arith.constant 0 : i32
        %add3A_96 = arith.addi %add3A_95, %mul3A_94 : i32
        %add3A_97 = arith.constant 1 : i32
        %add3A_98 = arith.addi %add3A_96, %add3A_97 : i32
        %dma_start3A_99 = arith.constant 0 : i32
        %dma_start3A_100 = tpu.memref_slice %arg9[%add3A_98, %dma_start3A_99] : memref<40x125xi32, #tpu.memory_space<vmem>> -> memref<1x125xi32, #tpu.memory_space<vmem>>
        %dma_start3A_101 = tpu.memref_squeeze %dma_start3A_100 : memref<1x125xi32, #tpu.memory_space<vmem>> -> memref<125xi32, #tpu.memory_space<vmem>>
        %dma_start3A_102 = arith.constant 0 : i32
        %dma_start3A_103 = arith.constant 0 : i32
        %dma_start3A_104 = tpu.memref_slice %arg2[%dma_start3A_102, %dma_start3A_103] : memref<10000x128xf32, #tpu.memory_space<hbm>> -> memref<10000x128xf32, #tpu.memory_space<hbm>>
        tpu.enqueue_indirect_dma source(%dma_start3A_104 : memref<10000x128xf32, #tpu.memory_space<hbm>>) target(%arg12 : memref<125x128xf32, #tpu.memory_space<vmem>>) offsets(%dma_start3A_101 : memref<125xi32, #tpu.memory_space<vmem>>) semaphore(%arg15 : memref<!tpu.dma_semaphore, #tpu.memory_space<semaphore_mem>>)
        %dma_wait3A_105 = arith.constant 0 : i32
        %dma_wait3A_106 = arith.constant 0 : i32
        %dma_wait3A_107 = tpu.memref_slice %arg9[%dma_wait3A_105, %dma_wait3A_106] : memref<40x125xi32, #tpu.memory_space<vmem>> -> memref<1x125xi32, #tpu.memory_space<vmem>>
        %dma_wait3A_108 = tpu.memref_squeeze %dma_wait3A_107 : memref<1x125xi32, #tpu.memory_space<vmem>> -> memref<125xi32, #tpu.memory_space<vmem>>
        %dma_wait3A_109 = arith.constant 0 : i32
        %dma_wait3A_110 = arith.constant 0 : i32
        %dma_wait3A_111 = tpu.memref_slice %arg2[%dma_wait3A_109, %dma_wait3A_110] : memref<10000x128xf32, #tpu.memory_space<hbm>> -> memref<10000x128xf32, #tpu.memory_space<hbm>>
        tpu.wait_indirect_dma semaphore(%arg14 : memref<!tpu.dma_semaphore, #tpu.memory_space<semaphore_mem>>) src(%dma_wait3A_111 : memref<10000x128xf32, #tpu.memory_space<hbm>>) dst(%arg11 : memref<125x128xf32, #tpu.memory_space<vmem>>)
        "tpu.region"() ({
          %run_scoped3A_129 = tpu.sem_alloc : memref<!tpu.dma_semaphore, #tpu.memory_space<semaphore_mem>>
          %dma_start3A_130 = arith.constant 0 : i32
          %dma_start3A_131 = tpu.memref_slice %arg10[%add3A_96, %dma_start3A_130] : memref<40x125xi32, #tpu.memory_space<vmem>> -> memref<1x125xi32, #tpu.memory_space<vmem>>
          %dma_start3A_132 = tpu.memref_squeeze %dma_start3A_131 : memref<1x125xi32, #tpu.memory_space<vmem>> -> memref<125xi32, #tpu.memory_space<vmem>>
          %dma_start3A_133 = arith.constant 0 : i32
          %dma_start3A_134 = arith.constant 0 : i32
          %dma_start3A_135 = tpu.memref_slice %arg13[%dma_start3A_133, %dma_start3A_134] : memref<10240x128xf32, #tpu.memory_space<vmem_shared>> -> memref<10240x128xf32, #tpu.memory_space<vmem_shared>>
          tpu.enqueue_indirect_dma source(%arg11 : memref<125x128xf32, #tpu.memory_space<vmem>>) target(%dma_start3A_135 : memref<10240x128xf32, #tpu.memory_space<vmem_shared>>) offsets(%dma_start3A_132 : memref<125xi32, #tpu.memory_space<vmem>>) semaphore(%run_scoped3A_129 : memref<!tpu.dma_semaphore, #tpu.memory_space<semaphore_mem>>) {add = true}
          %dma_wait3A_136 = arith.constant 0 : i32
          %dma_wait3A_137 = tpu.memref_slice %arg10[%add3A_96, %dma_wait3A_136] : memref<40x125xi32, #tpu.memory_space<vmem>> -> memref<1x125xi32, #tpu.memory_space<vmem>>
          %dma_wait3A_138 = tpu.memref_squeeze %dma_wait3A_137 : memref<1x125xi32, #tpu.memory_space<vmem>> -> memref<125xi32, #tpu.memory_space<vmem>>
          %dma_wait3A_139 = arith.constant 0 : i32
          %dma_wait3A_140 = arith.constant 0 : i32
          %dma_wait3A_141 = tpu.memref_slice %arg13[%dma_wait3A_139, %dma_wait3A_140] : memref<10240x128xf32, #tpu.memory_space<vmem_shared>> -> memref<10240x128xf32, #tpu.memory_space<vmem_shared>>
          tpu.wait_indirect_dma semaphore(%run_scoped3A_129 : memref<!tpu.dma_semaphore, #tpu.memory_space<semaphore_mem>>) src(%arg11 : memref<125x128xf32, #tpu.memory_space<vmem>>) dst(%dma_wait3A_141 : memref<10240x128xf32, #tpu.memory_space<vmem_shared>>)
          tpu.yield
        }) : () -> ()
        %add3A_112 = arith.constant 2 : i32
        %add3A_113 = arith.addi %add3A_96, %add3A_112 : i32
        %dma_start3A_114 = arith.constant 0 : i32
        %dma_start3A_115 = tpu.memref_slice %arg9[%add3A_113, %dma_start3A_114] : memref<40x125xi32, #tpu.memory_space<vmem>> -> memref<1x125xi32, #tpu.memory_space<vmem>>
        %dma_start3A_116 = tpu.memref_squeeze %dma_start3A_115 : memref<1x125xi32, #tpu.memory_space<vmem>> -> memref<125xi32, #tpu.memory_space<vmem>>
        %dma_start3A_117 = arith.constant 0 : i32
        %dma_start3A_118 = arith.constant 0 : i32
        %dma_start3A_119 = tpu.memref_slice %arg2[%dma_start3A_117, %dma_start3A_118] : memref<10000x128xf32, #tpu.memory_space<hbm>> -> memref<10000x128xf32, #tpu.memory_space<hbm>>
        tpu.enqueue_indirect_dma source(%dma_start3A_119 : memref<10000x128xf32, #tpu.memory_space<hbm>>) target(%arg11 : memref<125x128xf32, #tpu.memory_space<vmem>>) offsets(%dma_start3A_116 : memref<125xi32, #tpu.memory_space<vmem>>) semaphore(%arg14 : memref<!tpu.dma_semaphore, #tpu.memory_space<semaphore_mem>>)
        %dma_wait3A_120 = arith.constant 0 : i32
        %dma_wait3A_121 = arith.constant 0 : i32
        %dma_wait3A_122 = tpu.memref_slice %arg9[%dma_wait3A_120, %dma_wait3A_121] : memref<40x125xi32, #tpu.memory_space<vmem>> -> memref<1x125xi32, #tpu.memory_space<vmem>>
        %dma_wait3A_123 = tpu.memref_squeeze %dma_wait3A_122 : memref<1x125xi32, #tpu.memory_space<vmem>> -> memref<125xi32, #tpu.memory_space<vmem>>
        %dma_wait3A_124 = arith.constant 0 : i32
        %dma_wait3A_125 = arith.constant 0 : i32
        %dma_wait3A_126 = tpu.memref_slice %arg2[%dma_wait3A_124, %dma_wait3A_125] : memref<10000x128xf32, #tpu.memory_space<hbm>> -> memref<10000x128xf32, #tpu.memory_space<hbm>>
        tpu.wait_indirect_dma semaphore(%arg15 : memref<!tpu.dma_semaphore, #tpu.memory_space<semaphore_mem>>) src(%dma_wait3A_126 : memref<10000x128xf32, #tpu.memory_space<hbm>>) dst(%arg12 : memref<125x128xf32, #tpu.memory_space<vmem>>)
        %add3A_127 = arith.constant 1 : i32
        %add3A_128 = arith.addi %add3A_96, %add3A_127 : i32
        "tpu.region"() ({
          %run_scoped3A_129 = tpu.sem_alloc : memref<!tpu.dma_semaphore, #tpu.memory_space<semaphore_mem>>
          %dma_start3A_130 = arith.constant 0 : i32
          %dma_start3A_131 = tpu.memref_slice %arg10[%add3A_128, %dma_start3A_130] : memref<40x125xi32, #tpu.memory_space<vmem>> -> memref<1x125xi32, #tpu.memory_space<vmem>>
          %dma_start3A_132 = tpu.memref_squeeze %dma_start3A_131 : memref<1x125xi32, #tpu.memory_space<vmem>> -> memref<125xi32, #tpu.memory_space<vmem>>
          %dma_start3A_133 = arith.constant 0 : i32
          %dma_start3A_134 = arith.constant 0 : i32
          %dma_start3A_135 = tpu.memref_slice %arg13[%dma_start3A_133, %dma_start3A_134] : memref<10240x128xf32, #tpu.memory_space<vmem_shared>> -> memref<10240x128xf32, #tpu.memory_space<vmem_shared>>
          tpu.enqueue_indirect_dma source(%arg12 : memref<125x128xf32, #tpu.memory_space<vmem>>) target(%dma_start3A_135 : memref<10240x128xf32, #tpu.memory_space<vmem_shared>>) offsets(%dma_start3A_132 : memref<125xi32, #tpu.memory_space<vmem>>) semaphore(%run_scoped3A_129 : memref<!tpu.dma_semaphore, #tpu.memory_space<semaphore_mem>>) {add = true}
          %dma_wait3A_136 = arith.constant 0 : i32
          %dma_wait3A_137 = tpu.memref_slice %arg10[%add3A_128, %dma_wait3A_136] : memref<40x125xi32, #tpu.memory_space<vmem>> -> memref<1x125xi32, #tpu.memory_space<vmem>>
          %dma_wait3A_138 = tpu.memref_squeeze %dma_wait3A_137 : memref<1x125xi32, #tpu.memory_space<vmem>> -> memref<125xi32, #tpu.memory_space<vmem>>
          %dma_wait3A_139 = arith.constant 0 : i32
          %dma_wait3A_140 = arith.constant 0 : i32
          %dma_wait3A_141 = tpu.memref_slice %arg13[%dma_wait3A_139, %dma_wait3A_140] : memref<10240x128xf32, #tpu.memory_space<vmem_shared>> -> memref<10240x128xf32, #tpu.memory_space<vmem_shared>>
          tpu.wait_indirect_dma semaphore(%run_scoped3A_129 : memref<!tpu.dma_semaphore, #tpu.memory_space<semaphore_mem>>) src(%arg12 : memref<125x128xf32, #tpu.memory_space<vmem>>) dst(%dma_wait3A_141 : memref<10240x128xf32, #tpu.memory_space<vmem_shared>>)
          tpu.yield
        }) : () -> ()
      }
      %scan3A_68 = arith.constant 19 : i32
      %dma_start3A_69 = arith.constant 39 : i32
      %dma_start3A_70 = arith.constant 0 : i32
      %dma_start3A_71 = tpu.memref_slice %arg9[%dma_start3A_69, %dma_start3A_70] : memref<40x125xi32, #tpu.memory_space<vmem>> -> memref<1x125xi32, #tpu.memory_space<vmem>>
      %dma_start3A_72 = tpu.memref_squeeze %dma_start3A_71 : memref<1x125xi32, #tpu.memory_space<vmem>> -> memref<125xi32, #tpu.memory_space<vmem>>
      %dma_start3A_73 = arith.constant 0 : i32
      %dma_start3A_74 = arith.constant 0 : i32
      %dma_start3A_75 = tpu.memref_slice %arg2[%dma_start3A_73, %dma_start3A_74] : memref<10000x128xf32, #tpu.memory_space<hbm>> -> memref<10000x128xf32, #tpu.memory_space<hbm>>
      tpu.enqueue_indirect_dma source(%dma_start3A_75 : memref<10000x128xf32, #tpu.memory_space<hbm>>) target(%arg12 : memref<125x128xf32, #tpu.memory_space<vmem>>) offsets(%dma_start3A_72 : memref<125xi32, #tpu.memory_space<vmem>>) semaphore(%arg15 : memref<!tpu.dma_semaphore, #tpu.memory_space<semaphore_mem>>)
      %dma_wait3A_76 = arith.constant 0 : i32
      %dma_wait3A_77 = arith.constant 0 : i32
      %dma_wait3A_78 = tpu.memref_slice %arg9[%dma_wait3A_76, %dma_wait3A_77] : memref<40x125xi32, #tpu.memory_space<vmem>> -> memref<1x125xi32, #tpu.memory_space<vmem>>
      %dma_wait3A_79 = tpu.memref_squeeze %dma_wait3A_78 : memref<1x125xi32, #tpu.memory_space<vmem>> -> memref<125xi32, #tpu.memory_space<vmem>>
      %dma_wait3A_80 = arith.constant 0 : i32
      %dma_wait3A_81 = arith.constant 0 : i32
      %dma_wait3A_82 = tpu.memref_slice %arg2[%dma_wait3A_80, %dma_wait3A_81] : memref<10000x128xf32, #tpu.memory_space<hbm>> -> memref<10000x128xf32, #tpu.memory_space<hbm>>
      tpu.wait_indirect_dma semaphore(%arg14 : memref<!tpu.dma_semaphore, #tpu.memory_space<semaphore_mem>>) src(%dma_wait3A_82 : memref<10000x128xf32, #tpu.memory_space<hbm>>) dst(%arg11 : memref<125x128xf32, #tpu.memory_space<vmem>>)
      %run_scoped3A_83 = arith.constant 38 : i32
      "tpu.region"() ({
        %run_scoped3A_92 = tpu.sem_alloc : memref<!tpu.dma_semaphore, #tpu.memory_space<semaphore_mem>>
        %dma_start3A_93 = arith.constant 0 : i32
        %dma_start3A_94 = tpu.memref_slice %arg10[%run_scoped3A_83, %dma_start3A_93] : memref<40x125xi32, #tpu.memory_space<vmem>> -> memref<1x125xi32, #tpu.memory_space<vmem>>
        %dma_start3A_95 = tpu.memref_squeeze %dma_start3A_94 : memref<1x125xi32, #tpu.memory_space<vmem>> -> memref<125xi32, #tpu.memory_space<vmem>>
        %dma_start3A_96 = arith.constant 0 : i32
        %dma_start3A_97 = arith.constant 0 : i32
        %dma_start3A_98 = tpu.memref_slice %arg13[%dma_start3A_96, %dma_start3A_97] : memref<10240x128xf32, #tpu.memory_space<vmem_shared>> -> memref<10240x128xf32, #tpu.memory_space<vmem_shared>>
        tpu.enqueue_indirect_dma source(%arg11 : memref<125x128xf32, #tpu.memory_space<vmem>>) target(%dma_start3A_98 : memref<10240x128xf32, #tpu.memory_space<vmem_shared>>) offsets(%dma_start3A_95 : memref<125xi32, #tpu.memory_space<vmem>>) semaphore(%run_scoped3A_92 : memref<!tpu.dma_semaphore, #tpu.memory_space<semaphore_mem>>) {add = true}
        %dma_wait3A_99 = arith.constant 0 : i32
        %dma_wait3A_100 = tpu.memref_slice %arg10[%run_scoped3A_83, %dma_wait3A_99] : memref<40x125xi32, #tpu.memory_space<vmem>> -> memref<1x125xi32, #tpu.memory_space<vmem>>
        %dma_wait3A_101 = tpu.memref_squeeze %dma_wait3A_100 : memref<1x125xi32, #tpu.memory_space<vmem>> -> memref<125xi32, #tpu.memory_space<vmem>>
        %dma_wait3A_102 = arith.constant 0 : i32
        %dma_wait3A_103 = arith.constant 0 : i32
        %dma_wait3A_104 = tpu.memref_slice %arg13[%dma_wait3A_102, %dma_wait3A_103] : memref<10240x128xf32, #tpu.memory_space<vmem_shared>> -> memref<10240x128xf32, #tpu.memory_space<vmem_shared>>
        tpu.wait_indirect_dma semaphore(%run_scoped3A_92 : memref<!tpu.dma_semaphore, #tpu.memory_space<semaphore_mem>>) src(%arg11 : memref<125x128xf32, #tpu.memory_space<vmem>>) dst(%dma_wait3A_104 : memref<10240x128xf32, #tpu.memory_space<vmem_shared>>)
        tpu.yield
      }) : () -> ()
      %dma_wait3A_84 = arith.constant 0 : i32
      %dma_wait3A_85 = arith.constant 0 : i32
      %dma_wait3A_86 = tpu.memref_slice %arg9[%dma_wait3A_84, %dma_wait3A_85] : memref<40x125xi32, #tpu.memory_space<vmem>> -> memref<1x125xi32, #tpu.memory_space<vmem>>
      %dma_wait3A_87 = tpu.memref_squeeze %dma_wait3A_86 : memref<1x125xi32, #tpu.memory_space<vmem>> -> memref<125xi32, #tpu.memory_space<vmem>>
      %dma_wait3A_88 = arith.constant 0 : i32
      %dma_wait3A_89 = arith.constant 0 : i32
      %dma_wait3A_90 = tpu.memref_slice %arg2[%dma_wait3A_88, %dma_wait3A_89] : memref<10000x128xf32, #tpu.memory_space<hbm>> -> memref<10000x128xf32, #tpu.memory_space<hbm>>
      tpu.wait_indirect_dma semaphore(%arg15 : memref<!tpu.dma_semaphore, #tpu.memory_space<semaphore_mem>>) src(%dma_wait3A_90 : memref<10000x128xf32, #tpu.memory_space<hbm>>) dst(%arg12 : memref<125x128xf32, #tpu.memory_space<vmem>>)
      %run_scoped3A_91 = arith.constant 39 : i32
      "tpu.region"() ({
        %run_scoped3A_92 = tpu.sem_alloc : memref<!tpu.dma_semaphore, #tpu.memory_space<semaphore_mem>>
        %dma_start3A_93 = arith.constant 0 : i32
        %dma_start3A_94 = tpu.memref_slice %arg10[%run_scoped3A_91, %dma_start3A_93] : memref<40x125xi32, #tpu.memory_space<vmem>> -> memref<1x125xi32, #tpu.memory_space<vmem>>
        %dma_start3A_95 = tpu.memref_squeeze %dma_start3A_94 : memref<1x125xi32, #tpu.memory_space<vmem>> -> memref<125xi32, #tpu.memory_space<vmem>>
        %dma_start3A_96 = arith.constant 0 : i32
        %dma_start3A_97 = arith.constant 0 : i32
        %dma_start3A_98 = tpu.memref_slice %arg13[%dma_start3A_96, %dma_start3A_97] : memref<10240x128xf32, #tpu.memory_space<vmem_shared>> -> memref<10240x128xf32, #tpu.memory_space<vmem_shared>>
        tpu.enqueue_indirect_dma source(%arg12 : memref<125x128xf32, #tpu.memory_space<vmem>>) target(%dma_start3A_98 : memref<10240x128xf32, #tpu.memory_space<vmem_shared>>) offsets(%dma_start3A_95 : memref<125xi32, #tpu.memory_space<vmem>>) semaphore(%run_scoped3A_92 : memref<!tpu.dma_semaphore, #tpu.memory_space<semaphore_mem>>) {add = true}
        %dma_wait3A_99 = arith.constant 0 : i32
        %dma_wait3A_100 = tpu.memref_slice %arg10[%run_scoped3A_91, %dma_wait3A_99] : memref<40x125xi32, #tpu.memory_space<vmem>> -> memref<1x125xi32, #tpu.memory_space<vmem>>
        %dma_wait3A_101 = tpu.memref_squeeze %dma_wait3A_100 : memref<1x125xi32, #tpu.memory_space<vmem>> -> memref<125xi32, #tpu.memory_space<vmem>>
        %dma_wait3A_102 = arith.constant 0 : i32
        %dma_wait3A_103 = arith.constant 0 : i32
        %dma_wait3A_104 = tpu.memref_slice %arg13[%dma_wait3A_102, %dma_wait3A_103] : memref<10240x128xf32, #tpu.memory_space<vmem_shared>> -> memref<10240x128xf32, #tpu.memory_space<vmem_shared>>
        tpu.wait_indirect_dma semaphore(%run_scoped3A_92 : memref<!tpu.dma_semaphore, #tpu.memory_space<semaphore_mem>>) src(%arg12 : memref<125x128xf32, #tpu.memory_space<vmem>>) dst(%dma_wait3A_104 : memref<10240x128xf32, #tpu.memory_space<vmem_shared>>)
        tpu.yield
      }) : () -> ()
    } else {
    }
    %eq3A_3 = arith.constant 1 : i32
    %eq3A_4 = arith.cmpi eq, %arg0, %eq3A_3 : i32
    %convert_element_type3A_5 = arith.extui %eq3A_4 : i1 to i32
    %cond3A_6 = arith.constant 0 : i32
    %cond3A_7 = arith.cmpi ne, %convert_element_type3A_5, %cond3A_6 : i32
    scf.if %cond3A_7 {
      %mul3A_18 = arith.constant 2 : i32
      %mul3A_19 = arith.muli %arg1, %mul3A_18 : i32
      %add3A = arith.constant 0 : i32
      %add3A_20 = arith.addi %mul3A_19, %add3A : i32
      "tpu.region"() ({
        %run_scoped3A_92 = tpu.sem_alloc : memref<!tpu.dma_semaphore, #tpu.memory_space<semaphore_mem>>
        %dma_start3A_93 = arith.constant 0 : i32
        %dma_start3A_94 = arith.constant 0 : i32
        %dma_start3A_95 = tpu.memref_slice %arg4[%add3A_20, %dma_start3A_93, %dma_start3A_94] : memref<32x40x125xi32, #tpu.memory_space<hbm>> -> memref<1x40x125xi32, #tpu.memory_space<hbm>>
        %dma_start3A_96 = tpu.memref_squeeze %dma_start3A_95 : memref<1x40x125xi32, #tpu.memory_space<hbm>> -> memref<40x125xi32, #tpu.memory_space<hbm>>
        %dma_start3A_97 = arith.constant 0 : i32
        %dma_start3A_98 = arith.constant 0 : i32
        %dma_start3A_99 = tpu.memref_slice %arg4[%add3A_20, %dma_start3A_97, %dma_start3A_98] : memref<32x40x125xi32, #tpu.memory_space<hbm>> -> memref<1x40x125xi32, #tpu.memory_space<hbm>>
        %dma_start3A_100 = tpu.memref_squeeze %dma_start3A_99 : memref<1x40x125xi32, #tpu.memory_space<hbm>> -> memref<40x125xi32, #tpu.memory_space<hbm>>
        tpu.enqueue_dma source(%dma_start3A_100 : memref<40x125xi32, #tpu.memory_space<hbm>>) target(%arg9 : memref<40x125xi32, #tpu.memory_space<vmem>>) target_semaphore(%run_scoped3A_92 : memref<!tpu.dma_semaphore, #tpu.memory_space<semaphore_mem>>)
        %dma_wait3A_101 = arith.constant 0 : i32
        %dma_wait3A_102 = arith.constant 0 : i32
        %dma_wait3A_103 = tpu.memref_slice %arg4[%add3A_20, %dma_wait3A_101, %dma_wait3A_102] : memref<32x40x125xi32, #tpu.memory_space<hbm>> -> memref<1x40x125xi32, #tpu.memory_space<hbm>>
        %dma_wait3A_104 = tpu.memref_squeeze %dma_wait3A_103 : memref<1x40x125xi32, #tpu.memory_space<hbm>> -> memref<40x125xi32, #tpu.memory_space<hbm>>
        %dma_wait3A_105 = arith.constant 0 : i32
        %dma_wait3A_106 = arith.constant 0 : i32
        %dma_wait3A_107 = tpu.memref_slice %arg4[%add3A_20, %dma_wait3A_105, %dma_wait3A_106] : memref<32x40x125xi32, #tpu.memory_space<hbm>> -> memref<1x40x125xi32, #tpu.memory_space<hbm>>
        %dma_wait3A_108 = tpu.memref_squeeze %dma_wait3A_107 : memref<1x40x125xi32, #tpu.memory_space<hbm>> -> memref<40x125xi32, #tpu.memory_space<hbm>>
        tpu.wait_dma2 semaphore(%run_scoped3A_92 : memref<!tpu.dma_semaphore, #tpu.memory_space<semaphore_mem>>) src(%dma_wait3A_108 : memref<40x125xi32, #tpu.memory_space<hbm>>) dst(%arg9 : memref<40x125xi32, #tpu.memory_space<vmem>>)
        tpu.yield
      }) : () -> ()
      "tpu.region"() ({
        %run_scoped3A_92 = tpu.sem_alloc : memref<!tpu.dma_semaphore, #tpu.memory_space<semaphore_mem>>
        %dma_start3A_93 = arith.constant 0 : i32
        %dma_start3A_94 = arith.constant 0 : i32
        %dma_start3A_95 = tpu.memref_slice %arg5[%add3A_20, %dma_start3A_93, %dma_start3A_94] : memref<32x40x125xi32, #tpu.memory_space<hbm>> -> memref<1x40x125xi32, #tpu.memory_space<hbm>>
        %dma_start3A_96 = tpu.memref_squeeze %dma_start3A_95 : memref<1x40x125xi32, #tpu.memory_space<hbm>> -> memref<40x125xi32, #tpu.memory_space<hbm>>
        %dma_start3A_97 = arith.constant 0 : i32
        %dma_start3A_98 = arith.constant 0 : i32
        %dma_start3A_99 = tpu.memref_slice %arg5[%add3A_20, %dma_start3A_97, %dma_start3A_98] : memref<32x40x125xi32, #tpu.memory_space<hbm>> -> memref<1x40x125xi32, #tpu.memory_space<hbm>>
        %dma_start3A_100 = tpu.memref_squeeze %dma_start3A_99 : memref<1x40x125xi32, #tpu.memory_space<hbm>> -> memref<40x125xi32, #tpu.memory_space<hbm>>
        tpu.enqueue_dma source(%dma_start3A_100 : memref<40x125xi32, #tpu.memory_space<hbm>>) target(%arg10 : memref<40x125xi32, #tpu.memory_space<vmem>>) target_semaphore(%run_scoped3A_92 : memref<!tpu.dma_semaphore, #tpu.memory_space<semaphore_mem>>)
        %dma_wait3A_101 = arith.constant 0 : i32
        %dma_wait3A_102 = arith.constant 0 : i32
        %dma_wait3A_103 = tpu.memref_slice %arg5[%add3A_20, %dma_wait3A_101, %dma_wait3A_102] : memref<32x40x125xi32, #tpu.memory_space<hbm>> -> memref<1x40x125xi32, #tpu.memory_space<hbm>>
        %dma_wait3A_104 = tpu.memref_squeeze %dma_wait3A_103 : memref<1x40x125xi32, #tpu.memory_space<hbm>> -> memref<40x125xi32, #tpu.memory_space<hbm>>
        %dma_wait3A_105 = arith.constant 0 : i32
        %dma_wait3A_106 = arith.constant 0 : i32
        %dma_wait3A_107 = tpu.memref_slice %arg5[%add3A_20, %dma_wait3A_105, %dma_wait3A_106] : memref<32x40x125xi32, #tpu.memory_space<hbm>> -> memref<1x40x125xi32, #tpu.memory_space<hbm>>
        %dma_wait3A_108 = tpu.memref_squeeze %dma_wait3A_107 : memref<1x40x125xi32, #tpu.memory_space<hbm>> -> memref<40x125xi32, #tpu.memory_space<hbm>>
        tpu.wait_dma2 semaphore(%run_scoped3A_92 : memref<!tpu.dma_semaphore, #tpu.memory_space<semaphore_mem>>) src(%dma_wait3A_108 : memref<40x125xi32, #tpu.memory_space<hbm>>) dst(%arg10 : memref<40x125xi32, #tpu.memory_space<vmem>>)
        tpu.yield
      }) : () -> ()
      %dma_start3A = arith.constant 0 : i32
      %dma_start3A_21 = arith.constant 0 : i32
      %dma_start3A_22 = tpu.memref_slice %arg9[%dma_start3A, %dma_start3A_21] : memref<40x125xi32, #tpu.memory_space<vmem>> -> memref<1x125xi32, #tpu.memory_space<vmem>>
      %dma_start3A_23 = tpu.memref_squeeze %dma_start3A_22 : memref<1x125xi32, #tpu.memory_space<vmem>> -> memref<125xi32, #tpu.memory_space<vmem>>
      %dma_start3A_24 = arith.constant 0 : i32
      %dma_start3A_25 = arith.constant 0 : i32
      %dma_start3A_26 = tpu.memref_slice %arg3[%dma_start3A_24, %dma_start3A_25] : memref<10000x128xf32, #tpu.memory_space<hbm>> -> memref<10000x128xf32, #tpu.memory_space<hbm>>
      tpu.enqueue_indirect_dma source(%dma_start3A_26 : memref<10000x128xf32, #tpu.memory_space<hbm>>) target(%arg11 : memref<125x128xf32, #tpu.memory_space<vmem>>) offsets(%dma_start3A_23 : memref<125xi32, #tpu.memory_space<vmem>>) semaphore(%arg14 : memref<!tpu.dma_semaphore, #tpu.memory_space<semaphore_mem>>)
      %barrier3A_27 = arith.constant 0 : index
      tpu.barrier barrier_id(%barrier3A_27)
      %scan3A = arith.constant 0 : i32
      %scan3A_28 = arith.constant 19 : i32
      %scan3A_29 = arith.addi %scan3A, %scan3A_28 : i32
      %scan3A_30 = arith.constant 1 : i32
      scf.for %scan3A_92 = %scan3A to %scan3A_29 step %scan3A_30  : i32 {
        %mul3A_93 = arith.constant 2 : i32
        %mul3A_94 = arith.muli %scan3A_92, %mul3A_93 : i32
        %add3A_95 = arith.constant 0 : i32
        %add3A_96 = arith.addi %add3A_95, %mul3A_94 : i32
        %add3A_97 = arith.constant 1 : i32
        %add3A_98 = arith.addi %add3A_96, %add3A_97 : i32
        %dma_start3A_99 = arith.constant 0 : i32
        %dma_start3A_100 = tpu.memref_slice %arg9[%add3A_98, %dma_start3A_99] : memref<40x125xi32, #tpu.memory_space<vmem>> -> memref<1x125xi32, #tpu.memory_space<vmem>>
        %dma_start3A_101 = tpu.memref_squeeze %dma_start3A_100 : memref<1x125xi32, #tpu.memory_space<vmem>> -> memref<125xi32, #tpu.memory_space<vmem>>
        %dma_start3A_102 = arith.constant 0 : i32
        %dma_start3A_103 = arith.constant 0 : i32
        %dma_start3A_104 = tpu.memref_slice %arg3[%dma_start3A_102, %dma_start3A_103] : memref<10000x128xf32, #tpu.memory_space<hbm>> -> memref<10000x128xf32, #tpu.memory_space<hbm>>
        tpu.enqueue_indirect_dma source(%dma_start3A_104 : memref<10000x128xf32, #tpu.memory_space<hbm>>) target(%arg12 : memref<125x128xf32, #tpu.memory_space<vmem>>) offsets(%dma_start3A_101 : memref<125xi32, #tpu.memory_space<vmem>>) semaphore(%arg15 : memref<!tpu.dma_semaphore, #tpu.memory_space<semaphore_mem>>)
        %dma_wait3A_105 = arith.constant 0 : i32
        %dma_wait3A_106 = arith.constant 0 : i32
        %dma_wait3A_107 = tpu.memref_slice %arg9[%dma_wait3A_105, %dma_wait3A_106] : memref<40x125xi32, #tpu.memory_space<vmem>> -> memref<1x125xi32, #tpu.memory_space<vmem>>
        %dma_wait3A_108 = tpu.memref_squeeze %dma_wait3A_107 : memref<1x125xi32, #tpu.memory_space<vmem>> -> memref<125xi32, #tpu.memory_space<vmem>>
        %dma_wait3A_109 = arith.constant 0 : i32
        %dma_wait3A_110 = arith.constant 0 : i32
        %dma_wait3A_111 = tpu.memref_slice %arg3[%dma_wait3A_109, %dma_wait3A_110] : memref<10000x128xf32, #tpu.memory_space<hbm>> -> memref<10000x128xf32, #tpu.memory_space<hbm>>
        tpu.wait_indirect_dma semaphore(%arg14 : memref<!tpu.dma_semaphore, #tpu.memory_space<semaphore_mem>>) src(%dma_wait3A_111 : memref<10000x128xf32, #tpu.memory_space<hbm>>) dst(%arg11 : memref<125x128xf32, #tpu.memory_space<vmem>>)
        "tpu.region"() ({
          %run_scoped3A_129 = tpu.sem_alloc : memref<!tpu.dma_semaphore, #tpu.memory_space<semaphore_mem>>
          %dma_start3A_130 = arith.constant 0 : i32
          %dma_start3A_131 = tpu.memref_slice %arg10[%add3A_96, %dma_start3A_130] : memref<40x125xi32, #tpu.memory_space<vmem>> -> memref<1x125xi32, #tpu.memory_space<vmem>>
          %dma_start3A_132 = tpu.memref_squeeze %dma_start3A_131 : memref<1x125xi32, #tpu.memory_space<vmem>> -> memref<125xi32, #tpu.memory_space<vmem>>
          %dma_start3A_133 = arith.constant 0 : i32
          %dma_start3A_134 = arith.constant 0 : i32
          %dma_start3A_135 = tpu.memref_slice %arg13[%dma_start3A_133, %dma_start3A_134] : memref<10240x128xf32, #tpu.memory_space<vmem_shared>> -> memref<10240x128xf32, #tpu.memory_space<vmem_shared>>
          tpu.enqueue_indirect_dma source(%arg11 : memref<125x128xf32, #tpu.memory_space<vmem>>) target(%dma_start3A_135 : memref<10240x128xf32, #tpu.memory_space<vmem_shared>>) offsets(%dma_start3A_132 : memref<125xi32, #tpu.memory_space<vmem>>) semaphore(%run_scoped3A_129 : memref<!tpu.dma_semaphore, #tpu.memory_space<semaphore_mem>>) {add = true}
          %dma_wait3A_136 = arith.constant 0 : i32
          %dma_wait3A_137 = tpu.memref_slice %arg10[%add3A_96, %dma_wait3A_136] : memref<40x125xi32, #tpu.memory_space<vmem>> -> memref<1x125xi32, #tpu.memory_space<vmem>>
          %dma_wait3A_138 = tpu.memref_squeeze %dma_wait3A_137 : memref<1x125xi32, #tpu.memory_space<vmem>> -> memref<125xi32, #tpu.memory_space<vmem>>
          %dma_wait3A_139 = arith.constant 0 : i32
          %dma_wait3A_140 = arith.constant 0 : i32
          %dma_wait3A_141 = tpu.memref_slice %arg13[%dma_wait3A_139, %dma_wait3A_140] : memref<10240x128xf32, #tpu.memory_space<vmem_shared>> -> memref<10240x128xf32, #tpu.memory_space<vmem_shared>>
          tpu.wait_indirect_dma semaphore(%run_scoped3A_129 : memref<!tpu.dma_semaphore, #tpu.memory_space<semaphore_mem>>) src(%arg11 : memref<125x128xf32, #tpu.memory_space<vmem>>) dst(%dma_wait3A_141 : memref<10240x128xf32, #tpu.memory_space<vmem_shared>>)
          tpu.yield
        }) : () -> ()
        %add3A_112 = arith.constant 2 : i32
        %add3A_113 = arith.addi %add3A_96, %add3A_112 : i32
        %dma_start3A_114 = arith.constant 0 : i32
        %dma_start3A_115 = tpu.memref_slice %arg9[%add3A_113, %dma_start3A_114] : memref<40x125xi32, #tpu.memory_space<vmem>> -> memref<1x125xi32, #tpu.memory_space<vmem>>
        %dma_start3A_116 = tpu.memref_squeeze %dma_start3A_115 : memref<1x125xi32, #tpu.memory_space<vmem>> -> memref<125xi32, #tpu.memory_space<vmem>>
        %dma_start3A_117 = arith.constant 0 : i32
        %dma_start3A_118 = arith.constant 0 : i32
        %dma_start3A_119 = tpu.memref_slice %arg3[%dma_start3A_117, %dma_start3A_118] : memref<10000x128xf32, #tpu.memory_space<hbm>> -> memref<10000x128xf32, #tpu.memory_space<hbm>>
        tpu.enqueue_indirect_dma source(%dma_start3A_119 : memref<10000x128xf32, #tpu.memory_space<hbm>>) target(%arg11 : memref<125x128xf32, #tpu.memory_space<vmem>>) offsets(%dma_start3A_116 : memref<125xi32, #tpu.memory_space<vmem>>) semaphore(%arg14 : memref<!tpu.dma_semaphore, #tpu.memory_space<semaphore_mem>>)
        %dma_wait3A_120 = arith.constant 0 : i32
        %dma_wait3A_121 = arith.constant 0 : i32
        %dma_wait3A_122 = tpu.memref_slice %arg9[%dma_wait3A_120, %dma_wait3A_121] : memref<40x125xi32, #tpu.memory_space<vmem>> -> memref<1x125xi32, #tpu.memory_space<vmem>>
        %dma_wait3A_123 = tpu.memref_squeeze %dma_wait3A_122 : memref<1x125xi32, #tpu.memory_space<vmem>> -> memref<125xi32, #tpu.memory_space<vmem>>
        %dma_wait3A_124 = arith.constant 0 : i32
        %dma_wait3A_125 = arith.constant 0 : i32
        %dma_wait3A_126 = tpu.memref_slice %arg3[%dma_wait3A_124, %dma_wait3A_125] : memref<10000x128xf32, #tpu.memory_space<hbm>> -> memref<10000x128xf32, #tpu.memory_space<hbm>>
        tpu.wait_indirect_dma semaphore(%arg15 : memref<!tpu.dma_semaphore, #tpu.memory_space<semaphore_mem>>) src(%dma_wait3A_126 : memref<10000x128xf32, #tpu.memory_space<hbm>>) dst(%arg12 : memref<125x128xf32, #tpu.memory_space<vmem>>)
        %add3A_127 = arith.constant 1 : i32
        %add3A_128 = arith.addi %add3A_96, %add3A_127 : i32
        "tpu.region"() ({
          %run_scoped3A_129 = tpu.sem_alloc : memref<!tpu.dma_semaphore, #tpu.memory_space<semaphore_mem>>
          %dma_start3A_130 = arith.constant 0 : i32
          %dma_start3A_131 = tpu.memref_slice %arg10[%add3A_128, %dma_start3A_130] : memref<40x125xi32, #tpu.memory_space<vmem>> -> memref<1x125xi32, #tpu.memory_space<vmem>>
          %dma_start3A_132 = tpu.memref_squeeze %dma_start3A_131 : memref<1x125xi32, #tpu.memory_space<vmem>> -> memref<125xi32, #tpu.memory_space<vmem>>
          %dma_start3A_133 = arith.constant 0 : i32
          %dma_start3A_134 = arith.constant 0 : i32
          %dma_start3A_135 = tpu.memref_slice %arg13[%dma_start3A_133, %dma_start3A_134] : memref<10240x128xf32, #tpu.memory_space<vmem_shared>> -> memref<10240x128xf32, #tpu.memory_space<vmem_shared>>
          tpu.enqueue_indirect_dma source(%arg12 : memref<125x128xf32, #tpu.memory_space<vmem>>) target(%dma_start3A_135 : memref<10240x128xf32, #tpu.memory_space<vmem_shared>>) offsets(%dma_start3A_132 : memref<125xi32, #tpu.memory_space<vmem>>) semaphore(%run_scoped3A_129 : memref<!tpu.dma_semaphore, #tpu.memory_space<semaphore_mem>>) {add = true}
          %dma_wait3A_136 = arith.constant 0 : i32
          %dma_wait3A_137 = tpu.memref_slice %arg10[%add3A_128, %dma_wait3A_136] : memref<40x125xi32, #tpu.memory_space<vmem>> -> memref<1x125xi32, #tpu.memory_space<vmem>>
          %dma_wait3A_138 = tpu.memref_squeeze %dma_wait3A_137 : memref<1x125xi32, #tpu.memory_space<vmem>> -> memref<125xi32, #tpu.memory_space<vmem>>
          %dma_wait3A_139 = arith.constant 0 : i32
          %dma_wait3A_140 = arith.constant 0 : i32
          %dma_wait3A_141 = tpu.memref_slice %arg13[%dma_wait3A_139, %dma_wait3A_140] : memref<10240x128xf32, #tpu.memory_space<vmem_shared>> -> memref<10240x128xf32, #tpu.memory_space<vmem_shared>>
          tpu.wait_indirect_dma semaphore(%run_scoped3A_129 : memref<!tpu.dma_semaphore, #tpu.memory_space<semaphore_mem>>) src(%arg12 : memref<125x128xf32, #tpu.memory_space<vmem>>) dst(%dma_wait3A_141 : memref<10240x128xf32, #tpu.memory_space<vmem_shared>>)
          tpu.yield
        }) : () -> ()
      }
      %scan3A_31 = arith.constant 19 : i32
      %dma_start3A_32 = arith.constant 39 : i32
      %dma_start3A_33 = arith.constant 0 : i32
      %dma_start3A_34 = tpu.memref_slice %arg9[%dma_start3A_32, %dma_start3A_33] : memref<40x125xi32, #tpu.memory_space<vmem>> -> memref<1x125xi32, #tpu.memory_space<vmem>>
      %dma_start3A_35 = tpu.memref_squeeze %dma_start3A_34 : memref<1x125xi32, #tpu.memory_space<vmem>> -> memref<125xi32, #tpu.memory_space<vmem>>
      %dma_start3A_36 = arith.constant 0 : i32
      %dma_start3A_37 = arith.constant 0 : i32
      %dma_start3A_38 = tpu.memref_slice %arg3[%dma_start3A_36, %dma_start3A_37] : memref<10000x128xf32, #tpu.memory_space<hbm>> -> memref<10000x128xf32, #tpu.memory_space<hbm>>
      tpu.enqueue_indirect_dma source(%dma_start3A_38 : memref<10000x128xf32, #tpu.memory_space<hbm>>) target(%arg12 : memref<125x128xf32, #tpu.memory_space<vmem>>) offsets(%dma_start3A_35 : memref<125xi32, #tpu.memory_space<vmem>>) semaphore(%arg15 : memref<!tpu.dma_semaphore, #tpu.memory_space<semaphore_mem>>)
      %dma_wait3A = arith.constant 0 : i32
      %dma_wait3A_39 = arith.constant 0 : i32
      %dma_wait3A_40 = tpu.memref_slice %arg9[%dma_wait3A, %dma_wait3A_39] : memref<40x125xi32, #tpu.memory_space<vmem>> -> memref<1x125xi32, #tpu.memory_space<vmem>>
      %dma_wait3A_41 = tpu.memref_squeeze %dma_wait3A_40 : memref<1x125xi32, #tpu.memory_space<vmem>> -> memref<125xi32, #tpu.memory_space<vmem>>
      %dma_wait3A_42 = arith.constant 0 : i32
      %dma_wait3A_43 = arith.constant 0 : i32
      %dma_wait3A_44 = tpu.memref_slice %arg3[%dma_wait3A_42, %dma_wait3A_43] : memref<10000x128xf32, #tpu.memory_space<hbm>> -> memref<10000x128xf32, #tpu.memory_space<hbm>>
      tpu.wait_indirect_dma semaphore(%arg14 : memref<!tpu.dma_semaphore, #tpu.memory_space<semaphore_mem>>) src(%dma_wait3A_44 : memref<10000x128xf32, #tpu.memory_space<hbm>>) dst(%arg11 : memref<125x128xf32, #tpu.memory_space<vmem>>)
      %run_scoped3A = arith.constant 38 : i32
      "tpu.region"() ({
        %run_scoped3A_92 = tpu.sem_alloc : memref<!tpu.dma_semaphore, #tpu.memory_space<semaphore_mem>>
        %dma_start3A_93 = arith.constant 0 : i32
        %dma_start3A_94 = tpu.memref_slice %arg10[%run_scoped3A, %dma_start3A_93] : memref<40x125xi32, #tpu.memory_space<vmem>> -> memref<1x125xi32, #tpu.memory_space<vmem>>
        %dma_start3A_95 = tpu.memref_squeeze %dma_start3A_94 : memref<1x125xi32, #tpu.memory_space<vmem>> -> memref<125xi32, #tpu.memory_space<vmem>>
        %dma_start3A_96 = arith.constant 0 : i32
        %dma_start3A_97 = arith.constant 0 : i32
        %dma_start3A_98 = tpu.memref_slice %arg13[%dma_start3A_96, %dma_start3A_97] : memref<10240x128xf32, #tpu.memory_space<vmem_shared>> -> memref<10240x128xf32, #tpu.memory_space<vmem_shared>>
        tpu.enqueue_indirect_dma source(%arg11 : memref<125x128xf32, #tpu.memory_space<vmem>>) target(%dma_start3A_98 : memref<10240x128xf32, #tpu.memory_space<vmem_shared>>) offsets(%dma_start3A_95 : memref<125xi32, #tpu.memory_space<vmem>>) semaphore(%run_scoped3A_92 : memref<!tpu.dma_semaphore, #tpu.memory_space<semaphore_mem>>) {add = true}
        %dma_wait3A_99 = arith.constant 0 : i32
        %dma_wait3A_100 = tpu.memref_slice %arg10[%run_scoped3A, %dma_wait3A_99] : memref<40x125xi32, #tpu.memory_space<vmem>> -> memref<1x125xi32, #tpu.memory_space<vmem>>
        %dma_wait3A_101 = tpu.memref_squeeze %dma_wait3A_100 : memref<1x125xi32, #tpu.memory_space<vmem>> -> memref<125xi32, #tpu.memory_space<vmem>>
        %dma_wait3A_102 = arith.constant 0 : i32
        %dma_wait3A_103 = arith.constant 0 : i32
        %dma_wait3A_104 = tpu.memref_slice %arg13[%dma_wait3A_102, %dma_wait3A_103] : memref<10240x128xf32, #tpu.memory_space<vmem_shared>> -> memref<10240x128xf32, #tpu.memory_space<vmem_shared>>
        tpu.wait_indirect_dma semaphore(%run_scoped3A_92 : memref<!tpu.dma_semaphore, #tpu.memory_space<semaphore_mem>>) src(%arg11 : memref<125x128xf32, #tpu.memory_space<vmem>>) dst(%dma_wait3A_104 : memref<10240x128xf32, #tpu.memory_space<vmem_shared>>)
        tpu.yield
      }) : () -> ()
      %dma_wait3A_45 = arith.constant 0 : i32
      %dma_wait3A_46 = arith.constant 0 : i32
      %dma_wait3A_47 = tpu.memref_slice %arg9[%dma_wait3A_45, %dma_wait3A_46] : memref<40x125xi32, #tpu.memory_space<vmem>> -> memref<1x125xi32, #tpu.memory_space<vmem>>
      %dma_wait3A_48 = tpu.memref_squeeze %dma_wait3A_47 : memref<1x125xi32, #tpu.memory_space<vmem>> -> memref<125xi32, #tpu.memory_space<vmem>>
      %dma_wait3A_49 = arith.constant 0 : i32
      %dma_wait3A_50 = arith.constant 0 : i32
      %dma_wait3A_51 = tpu.memref_slice %arg3[%dma_wait3A_49, %dma_wait3A_50] : memref<10000x128xf32, #tpu.memory_space<hbm>> -> memref<10000x128xf32, #tpu.memory_space<hbm>>
      tpu.wait_indirect_dma semaphore(%arg15 : memref<!tpu.dma_semaphore, #tpu.memory_space<semaphore_mem>>) src(%dma_wait3A_51 : memref<10000x128xf32, #tpu.memory_space<hbm>>) dst(%arg12 : memref<125x128xf32, #tpu.memory_space<vmem>>)
      %run_scoped3A_52 = arith.constant 39 : i32
      "tpu.region"() ({
        %run_scoped3A_92 = tpu.sem_alloc : memref<!tpu.dma_semaphore, #tpu.memory_space<semaphore_mem>>
        %dma_start3A_93 = arith.constant 0 : i32
        %dma_start3A_94 = tpu.memref_slice %arg10[%run_scoped3A_52, %dma_start3A_93] : memref<40x125xi32, #tpu.memory_space<vmem>> -> memref<1x125xi32, #tpu.memory_space<vmem>>
        %dma_start3A_95 = tpu.memref_squeeze %dma_start3A_94 : memref<1x125xi32, #tpu.memory_space<vmem>> -> memref<125xi32, #tpu.memory_space<vmem>>
        %dma_start3A_96 = arith.constant 0 : i32
        %dma_start3A_97 = arith.constant 0 : i32
        %dma_start3A_98 = tpu.memref_slice %arg13[%dma_start3A_96, %dma_start3A_97] : memref<10240x128xf32, #tpu.memory_space<vmem_shared>> -> memref<10240x128xf32, #tpu.memory_space<vmem_shared>>
        tpu.enqueue_indirect_dma source(%arg12 : memref<125x128xf32, #tpu.memory_space<vmem>>) target(%dma_start3A_98 : memref<10240x128xf32, #tpu.memory_space<vmem_shared>>) offsets(%dma_start3A_95 : memref<125xi32, #tpu.memory_space<vmem>>) semaphore(%run_scoped3A_92 : memref<!tpu.dma_semaphore, #tpu.memory_space<semaphore_mem>>) {add = true}
        %dma_wait3A_99 = arith.constant 0 : i32
        %dma_wait3A_100 = tpu.memref_slice %arg10[%run_scoped3A_52, %dma_wait3A_99] : memref<40x125xi32, #tpu.memory_space<vmem>> -> memref<1x125xi32, #tpu.memory_space<vmem>>
        %dma_wait3A_101 = tpu.memref_squeeze %dma_wait3A_100 : memref<1x125xi32, #tpu.memory_space<vmem>> -> memref<125xi32, #tpu.memory_space<vmem>>
        %dma_wait3A_102 = arith.constant 0 : i32
        %dma_wait3A_103 = arith.constant 0 : i32
        %dma_wait3A_104 = tpu.memref_slice %arg13[%dma_wait3A_102, %dma_wait3A_103] : memref<10240x128xf32, #tpu.memory_space<vmem_shared>> -> memref<10240x128xf32, #tpu.memory_space<vmem_shared>>
        tpu.wait_indirect_dma semaphore(%run_scoped3A_92 : memref<!tpu.dma_semaphore, #tpu.memory_space<semaphore_mem>>) src(%arg12 : memref<125x128xf32, #tpu.memory_space<vmem>>) dst(%dma_wait3A_104 : memref<10240x128xf32, #tpu.memory_space<vmem_shared>>)
        tpu.yield
      }) : () -> ()
      %mul3A_53 = arith.constant 2 : i32
      %mul3A_54 = arith.muli %arg1, %mul3A_53 : i32
      %add3A_55 = arith.constant 1 : i32
      %add3A_56 = arith.addi %mul3A_54, %add3A_55 : i32
      "tpu.region"() ({
        %run_scoped3A_92 = tpu.sem_alloc : memref<!tpu.dma_semaphore, #tpu.memory_space<semaphore_mem>>
        %dma_start3A_93 = arith.constant 0 : i32
        %dma_start3A_94 = arith.constant 0 : i32
        %dma_start3A_95 = tpu.memref_slice %arg4[%add3A_56, %dma_start3A_93, %dma_start3A_94] : memref<32x40x125xi32, #tpu.memory_space<hbm>> -> memref<1x40x125xi32, #tpu.memory_space<hbm>>
        %dma_start3A_96 = tpu.memref_squeeze %dma_start3A_95 : memref<1x40x125xi32, #tpu.memory_space<hbm>> -> memref<40x125xi32, #tpu.memory_space<hbm>>
        %dma_start3A_97 = arith.constant 0 : i32
        %dma_start3A_98 = arith.constant 0 : i32
        %dma_start3A_99 = tpu.memref_slice %arg4[%add3A_56, %dma_start3A_97, %dma_start3A_98] : memref<32x40x125xi32, #tpu.memory_space<hbm>> -> memref<1x40x125xi32, #tpu.memory_space<hbm>>
        %dma_start3A_100 = tpu.memref_squeeze %dma_start3A_99 : memref<1x40x125xi32, #tpu.memory_space<hbm>> -> memref<40x125xi32, #tpu.memory_space<hbm>>
        tpu.enqueue_dma source(%dma_start3A_100 : memref<40x125xi32, #tpu.memory_space<hbm>>) target(%arg9 : memref<40x125xi32, #tpu.memory_space<vmem>>) target_semaphore(%run_scoped3A_92 : memref<!tpu.dma_semaphore, #tpu.memory_space<semaphore_mem>>)
        %dma_wait3A_101 = arith.constant 0 : i32
        %dma_wait3A_102 = arith.constant 0 : i32
        %dma_wait3A_103 = tpu.memref_slice %arg4[%add3A_56, %dma_wait3A_101, %dma_wait3A_102] : memref<32x40x125xi32, #tpu.memory_space<hbm>> -> memref<1x40x125xi32, #tpu.memory_space<hbm>>
        %dma_wait3A_104 = tpu.memref_squeeze %dma_wait3A_103 : memref<1x40x125xi32, #tpu.memory_space<hbm>> -> memref<40x125xi32, #tpu.memory_space<hbm>>
        %dma_wait3A_105 = arith.constant 0 : i32
        %dma_wait3A_106 = arith.constant 0 : i32
        %dma_wait3A_107 = tpu.memref_slice %arg4[%add3A_56, %dma_wait3A_105, %dma_wait3A_106] : memref<32x40x125xi32, #tpu.memory_space<hbm>> -> memref<1x40x125xi32, #tpu.memory_space<hbm>>
        %dma_wait3A_108 = tpu.memref_squeeze %dma_wait3A_107 : memref<1x40x125xi32, #tpu.memory_space<hbm>> -> memref<40x125xi32, #tpu.memory_space<hbm>>
        tpu.wait_dma2 semaphore(%run_scoped3A_92 : memref<!tpu.dma_semaphore, #tpu.memory_space<semaphore_mem>>) src(%dma_wait3A_108 : memref<40x125xi32, #tpu.memory_space<hbm>>) dst(%arg9 : memref<40x125xi32, #tpu.memory_space<vmem>>)
        tpu.yield
      }) : () -> ()
      "tpu.region"() ({
        %run_scoped3A_92 = tpu.sem_alloc : memref<!tpu.dma_semaphore, #tpu.memory_space<semaphore_mem>>
        %dma_start3A_93 = arith.constant 0 : i32
        %dma_start3A_94 = arith.constant 0 : i32
        %dma_start3A_95 = tpu.memref_slice %arg5[%add3A_56, %dma_start3A_93, %dma_start3A_94] : memref<32x40x125xi32, #tpu.memory_space<hbm>> -> memref<1x40x125xi32, #tpu.memory_space<hbm>>
        %dma_start3A_96 = tpu.memref_squeeze %dma_start3A_95 : memref<1x40x125xi32, #tpu.memory_space<hbm>> -> memref<40x125xi32, #tpu.memory_space<hbm>>
        %dma_start3A_97 = arith.constant 0 : i32
        %dma_start3A_98 = arith.constant 0 : i32
        %dma_start3A_99 = tpu.memref_slice %arg5[%add3A_56, %dma_start3A_97, %dma_start3A_98] : memref<32x40x125xi32, #tpu.memory_space<hbm>> -> memref<1x40x125xi32, #tpu.memory_space<hbm>>
        %dma_start3A_100 = tpu.memref_squeeze %dma_start3A_99 : memref<1x40x125xi32, #tpu.memory_space<hbm>> -> memref<40x125xi32, #tpu.memory_space<hbm>>
        tpu.enqueue_dma source(%dma_start3A_100 : memref<40x125xi32, #tpu.memory_space<hbm>>) target(%arg10 : memref<40x125xi32, #tpu.memory_space<vmem>>) target_semaphore(%run_scoped3A_92 : memref<!tpu.dma_semaphore, #tpu.memory_space<semaphore_mem>>)
        %dma_wait3A_101 = arith.constant 0 : i32
        %dma_wait3A_102 = arith.constant 0 : i32
        %dma_wait3A_103 = tpu.memref_slice %arg5[%add3A_56, %dma_wait3A_101, %dma_wait3A_102] : memref<32x40x125xi32, #tpu.memory_space<hbm>> -> memref<1x40x125xi32, #tpu.memory_space<hbm>>
        %dma_wait3A_104 = tpu.memref_squeeze %dma_wait3A_103 : memref<1x40x125xi32, #tpu.memory_space<hbm>> -> memref<40x125xi32, #tpu.memory_space<hbm>>
        %dma_wait3A_105 = arith.constant 0 : i32
        %dma_wait3A_106 = arith.constant 0 : i32
        %dma_wait3A_107 = tpu.memref_slice %arg5[%add3A_56, %dma_wait3A_105, %dma_wait3A_106] : memref<32x40x125xi32, #tpu.memory_space<hbm>> -> memref<1x40x125xi32, #tpu.memory_space<hbm>>
        %dma_wait3A_108 = tpu.memref_squeeze %dma_wait3A_107 : memref<1x40x125xi32, #tpu.memory_space<hbm>> -> memref<40x125xi32, #tpu.memory_space<hbm>>
        tpu.wait_dma2 semaphore(%run_scoped3A_92 : memref<!tpu.dma_semaphore, #tpu.memory_space<semaphore_mem>>) src(%dma_wait3A_108 : memref<40x125xi32, #tpu.memory_space<hbm>>) dst(%arg10 : memref<40x125xi32, #tpu.memory_space<vmem>>)
        tpu.yield
      }) : () -> ()
      %dma_start3A_57 = arith.constant 0 : i32
      %dma_start3A_58 = arith.constant 0 : i32
      %dma_start3A_59 = tpu.memref_slice %arg9[%dma_start3A_57, %dma_start3A_58] : memref<40x125xi32, #tpu.memory_space<vmem>> -> memref<1x125xi32, #tpu.memory_space<vmem>>
      %dma_start3A_60 = tpu.memref_squeeze %dma_start3A_59 : memref<1x125xi32, #tpu.memory_space<vmem>> -> memref<125xi32, #tpu.memory_space<vmem>>
      %dma_start3A_61 = arith.constant 0 : i32
      %dma_start3A_62 = arith.constant 0 : i32
      %dma_start3A_63 = tpu.memref_slice %arg3[%dma_start3A_61, %dma_start3A_62] : memref<10000x128xf32, #tpu.memory_space<hbm>> -> memref<10000x128xf32, #tpu.memory_space<hbm>>
      tpu.enqueue_indirect_dma source(%dma_start3A_63 : memref<10000x128xf32, #tpu.memory_space<hbm>>) target(%arg11 : memref<125x128xf32, #tpu.memory_space<vmem>>) offsets(%dma_start3A_60 : memref<125xi32, #tpu.memory_space<vmem>>) semaphore(%arg14 : memref<!tpu.dma_semaphore, #tpu.memory_space<semaphore_mem>>)
      %scan3A_64 = arith.constant 0 : i32
      %scan3A_65 = arith.constant 19 : i32
      %scan3A_66 = arith.addi %scan3A_64, %scan3A_65 : i32
      %scan3A_67 = arith.constant 1 : i32
      scf.for %scan3A_92 = %scan3A_64 to %scan3A_66 step %scan3A_67  : i32 {
        %mul3A_93 = arith.constant 2 : i32
        %mul3A_94 = arith.muli %scan3A_92, %mul3A_93 : i32
        %add3A_95 = arith.constant 0 : i32
        %add3A_96 = arith.addi %add3A_95, %mul3A_94 : i32
        %add3A_97 = arith.constant 1 : i32
        %add3A_98 = arith.addi %add3A_96, %add3A_97 : i32
        %dma_start3A_99 = arith.constant 0 : i32
        %dma_start3A_100 = tpu.memref_slice %arg9[%add3A_98, %dma_start3A_99] : memref<40x125xi32, #tpu.memory_space<vmem>> -> memref<1x125xi32, #tpu.memory_space<vmem>>
        %dma_start3A_101 = tpu.memref_squeeze %dma_start3A_100 : memref<1x125xi32, #tpu.memory_space<vmem>> -> memref<125xi32, #tpu.memory_space<vmem>>
        %dma_start3A_102 = arith.constant 0 : i32
        %dma_start3A_103 = arith.constant 0 : i32
        %dma_start3A_104 = tpu.memref_slice %arg3[%dma_start3A_102, %dma_start3A_103] : memref<10000x128xf32, #tpu.memory_space<hbm>> -> memref<10000x128xf32, #tpu.memory_space<hbm>>
        tpu.enqueue_indirect_dma source(%dma_start3A_104 : memref<10000x128xf32, #tpu.memory_space<hbm>>) target(%arg12 : memref<125x128xf32, #tpu.memory_space<vmem>>) offsets(%dma_start3A_101 : memref<125xi32, #tpu.memory_space<vmem>>) semaphore(%arg15 : memref<!tpu.dma_semaphore, #tpu.memory_space<semaphore_mem>>)
        %dma_wait3A_105 = arith.constant 0 : i32
        %dma_wait3A_106 = arith.constant 0 : i32
        %dma_wait3A_107 = tpu.memref_slice %arg9[%dma_wait3A_105, %dma_wait3A_106] : memref<40x125xi32, #tpu.memory_space<vmem>> -> memref<1x125xi32, #tpu.memory_space<vmem>>
        %dma_wait3A_108 = tpu.memref_squeeze %dma_wait3A_107 : memref<1x125xi32, #tpu.memory_space<vmem>> -> memref<125xi32, #tpu.memory_space<vmem>>
        %dma_wait3A_109 = arith.constant 0 : i32
        %dma_wait3A_110 = arith.constant 0 : i32
        %dma_wait3A_111 = tpu.memref_slice %arg3[%dma_wait3A_109, %dma_wait3A_110] : memref<10000x128xf32, #tpu.memory_space<hbm>> -> memref<10000x128xf32, #tpu.memory_space<hbm>>
        tpu.wait_indirect_dma semaphore(%arg14 : memref<!tpu.dma_semaphore, #tpu.memory_space<semaphore_mem>>) src(%dma_wait3A_111 : memref<10000x128xf32, #tpu.memory_space<hbm>>) dst(%arg11 : memref<125x128xf32, #tpu.memory_space<vmem>>)
        "tpu.region"() ({
          %run_scoped3A_129 = tpu.sem_alloc : memref<!tpu.dma_semaphore, #tpu.memory_space<semaphore_mem>>
          %dma_start3A_130 = arith.constant 0 : i32
          %dma_start3A_131 = tpu.memref_slice %arg10[%add3A_96, %dma_start3A_130] : memref<40x125xi32, #tpu.memory_space<vmem>> -> memref<1x125xi32, #tpu.memory_space<vmem>>
          %dma_start3A_132 = tpu.memref_squeeze %dma_start3A_131 : memref<1x125xi32, #tpu.memory_space<vmem>> -> memref<125xi32, #tpu.memory_space<vmem>>
          %dma_start3A_133 = arith.constant 0 : i32
          %dma_start3A_134 = arith.constant 0 : i32
          %dma_start3A_135 = tpu.memref_slice %arg13[%dma_start3A_133, %dma_start3A_134] : memref<10240x128xf32, #tpu.memory_space<vmem_shared>> -> memref<10240x128xf32, #tpu.memory_space<vmem_shared>>
          tpu.enqueue_indirect_dma source(%arg11 : memref<125x128xf32, #tpu.memory_space<vmem>>) target(%dma_start3A_135 : memref<10240x128xf32, #tpu.memory_space<vmem_shared>>) offsets(%dma_start3A_132 : memref<125xi32, #tpu.memory_space<vmem>>) semaphore(%run_scoped3A_129 : memref<!tpu.dma_semaphore, #tpu.memory_space<semaphore_mem>>) {add = true}
          %dma_wait3A_136 = arith.constant 0 : i32
          %dma_wait3A_137 = tpu.memref_slice %arg10[%add3A_96, %dma_wait3A_136] : memref<40x125xi32, #tpu.memory_space<vmem>> -> memref<1x125xi32, #tpu.memory_space<vmem>>
          %dma_wait3A_138 = tpu.memref_squeeze %dma_wait3A_137 : memref<1x125xi32, #tpu.memory_space<vmem>> -> memref<125xi32, #tpu.memory_space<vmem>>
          %dma_wait3A_139 = arith.constant 0 : i32
          %dma_wait3A_140 = arith.constant 0 : i32
          %dma_wait3A_141 = tpu.memref_slice %arg13[%dma_wait3A_139, %dma_wait3A_140] : memref<10240x128xf32, #tpu.memory_space<vmem_shared>> -> memref<10240x128xf32, #tpu.memory_space<vmem_shared>>
          tpu.wait_indirect_dma semaphore(%run_scoped3A_129 : memref<!tpu.dma_semaphore, #tpu.memory_space<semaphore_mem>>) src(%arg11 : memref<125x128xf32, #tpu.memory_space<vmem>>) dst(%dma_wait3A_141 : memref<10240x128xf32, #tpu.memory_space<vmem_shared>>)
          tpu.yield
        }) : () -> ()
        %add3A_112 = arith.constant 2 : i32
        %add3A_113 = arith.addi %add3A_96, %add3A_112 : i32
        %dma_start3A_114 = arith.constant 0 : i32
        %dma_start3A_115 = tpu.memref_slice %arg9[%add3A_113, %dma_start3A_114] : memref<40x125xi32, #tpu.memory_space<vmem>> -> memref<1x125xi32, #tpu.memory_space<vmem>>
        %dma_start3A_116 = tpu.memref_squeeze %dma_start3A_115 : memref<1x125xi32, #tpu.memory_space<vmem>> -> memref<125xi32, #tpu.memory_space<vmem>>
        %dma_start3A_117 = arith.constant 0 : i32
        %dma_start3A_118 = arith.constant 0 : i32
        %dma_start3A_119 = tpu.memref_slice %arg3[%dma_start3A_117, %dma_start3A_118] : memref<10000x128xf32, #tpu.memory_space<hbm>> -> memref<10000x128xf32, #tpu.memory_space<hbm>>
        tpu.enqueue_indirect_dma source(%dma_start3A_119 : memref<10000x128xf32, #tpu.memory_space<hbm>>) target(%arg11 : memref<125x128xf32, #tpu.memory_space<vmem>>) offsets(%dma_start3A_116 : memref<125xi32, #tpu.memory_space<vmem>>) semaphore(%arg14 : memref<!tpu.dma_semaphore, #tpu.memory_space<semaphore_mem>>)
        %dma_wait3A_120 = arith.constant 0 : i32
        %dma_wait3A_121 = arith.constant 0 : i32
        %dma_wait3A_122 = tpu.memref_slice %arg9[%dma_wait3A_120, %dma_wait3A_121] : memref<40x125xi32, #tpu.memory_space<vmem>> -> memref<1x125xi32, #tpu.memory_space<vmem>>
        %dma_wait3A_123 = tpu.memref_squeeze %dma_wait3A_122 : memref<1x125xi32, #tpu.memory_space<vmem>> -> memref<125xi32, #tpu.memory_space<vmem>>
        %dma_wait3A_124 = arith.constant 0 : i32
        %dma_wait3A_125 = arith.constant 0 : i32
        %dma_wait3A_126 = tpu.memref_slice %arg3[%dma_wait3A_124, %dma_wait3A_125] : memref<10000x128xf32, #tpu.memory_space<hbm>> -> memref<10000x128xf32, #tpu.memory_space<hbm>>
        tpu.wait_indirect_dma semaphore(%arg15 : memref<!tpu.dma_semaphore, #tpu.memory_space<semaphore_mem>>) src(%dma_wait3A_126 : memref<10000x128xf32, #tpu.memory_space<hbm>>) dst(%arg12 : memref<125x128xf32, #tpu.memory_space<vmem>>)
        %add3A_127 = arith.constant 1 : i32
        %add3A_128 = arith.addi %add3A_96, %add3A_127 : i32
        "tpu.region"() ({
          %run_scoped3A_129 = tpu.sem_alloc : memref<!tpu.dma_semaphore, #tpu.memory_space<semaphore_mem>>
          %dma_start3A_130 = arith.constant 0 : i32
          %dma_start3A_131 = tpu.memref_slice %arg10[%add3A_128, %dma_start3A_130] : memref<40x125xi32, #tpu.memory_space<vmem>> -> memref<1x125xi32, #tpu.memory_space<vmem>>
          %dma_start3A_132 = tpu.memref_squeeze %dma_start3A_131 : memref<1x125xi32, #tpu.memory_space<vmem>> -> memref<125xi32, #tpu.memory_space<vmem>>
          %dma_start3A_133 = arith.constant 0 : i32
          %dma_start3A_134 = arith.constant 0 : i32
          %dma_start3A_135 = tpu.memref_slice %arg13[%dma_start3A_133, %dma_start3A_134] : memref<10240x128xf32, #tpu.memory_space<vmem_shared>> -> memref<10240x128xf32, #tpu.memory_space<vmem_shared>>
          tpu.enqueue_indirect_dma source(%arg12 : memref<125x128xf32, #tpu.memory_space<vmem>>) target(%dma_start3A_135 : memref<10240x128xf32, #tpu.memory_space<vmem_shared>>) offsets(%dma_start3A_132 : memref<125xi32, #tpu.memory_space<vmem>>) semaphore(%run_scoped3A_129 : memref<!tpu.dma_semaphore, #tpu.memory_space<semaphore_mem>>) {add = true}
          %dma_wait3A_136 = arith.constant 0 : i32
          %dma_wait3A_137 = tpu.memref_slice %arg10[%add3A_128, %dma_wait3A_136] : memref<40x125xi32, #tpu.memory_space<vmem>> -> memref<1x125xi32, #tpu.memory_space<vmem>>
          %dma_wait3A_138 = tpu.memref_squeeze %dma_wait3A_137 : memref<1x125xi32, #tpu.memory_space<vmem>> -> memref<125xi32, #tpu.memory_space<vmem>>
          %dma_wait3A_139 = arith.constant 0 : i32
          %dma_wait3A_140 = arith.constant 0 : i32
          %dma_wait3A_141 = tpu.memref_slice %arg13[%dma_wait3A_139, %dma_wait3A_140] : memref<10240x128xf32, #tpu.memory_space<vmem_shared>> -> memref<10240x128xf32, #tpu.memory_space<vmem_shared>>
          tpu.wait_indirect_dma semaphore(%run_scoped3A_129 : memref<!tpu.dma_semaphore, #tpu.memory_space<semaphore_mem>>) src(%arg12 : memref<125x128xf32, #tpu.memory_space<vmem>>) dst(%dma_wait3A_141 : memref<10240x128xf32, #tpu.memory_space<vmem_shared>>)
          tpu.yield
        }) : () -> ()
      }
      %scan3A_68 = arith.constant 19 : i32
      %dma_start3A_69 = arith.constant 39 : i32
      %dma_start3A_70 = arith.constant 0 : i32
      %dma_start3A_71 = tpu.memref_slice %arg9[%dma_start3A_69, %dma_start3A_70] : memref<40x125xi32, #tpu.memory_space<vmem>> -> memref<1x125xi32, #tpu.memory_space<vmem>>
      %dma_start3A_72 = tpu.memref_squeeze %dma_start3A_71 : memref<1x125xi32, #tpu.memory_space<vmem>> -> memref<125xi32, #tpu.memory_space<vmem>>
      %dma_start3A_73 = arith.constant 0 : i32
      %dma_start3A_74 = arith.constant 0 : i32
      %dma_start3A_75 = tpu.memref_slice %arg3[%dma_start3A_73, %dma_start3A_74] : memref<10000x128xf32, #tpu.memory_space<hbm>> -> memref<10000x128xf32, #tpu.memory_space<hbm>>
      tpu.enqueue_indirect_dma source(%dma_start3A_75 : memref<10000x128xf32, #tpu.memory_space<hbm>>) target(%arg12 : memref<125x128xf32, #tpu.memory_space<vmem>>) offsets(%dma_start3A_72 : memref<125xi32, #tpu.memory_space<vmem>>) semaphore(%arg15 : memref<!tpu.dma_semaphore, #tpu.memory_space<semaphore_mem>>)
      %dma_wait3A_76 = arith.constant 0 : i32
      %dma_wait3A_77 = arith.constant 0 : i32
      %dma_wait3A_78 = tpu.memref_slice %arg9[%dma_wait3A_76, %dma_wait3A_77] : memref<40x125xi32, #tpu.memory_space<vmem>> -> memref<1x125xi32, #tpu.memory_space<vmem>>
      %dma_wait3A_79 = tpu.memref_squeeze %dma_wait3A_78 : memref<1x125xi32, #tpu.memory_space<vmem>> -> memref<125xi32, #tpu.memory_space<vmem>>
      %dma_wait3A_80 = arith.constant 0 : i32
      %dma_wait3A_81 = arith.constant 0 : i32
      %dma_wait3A_82 = tpu.memref_slice %arg3[%dma_wait3A_80, %dma_wait3A_81] : memref<10000x128xf32, #tpu.memory_space<hbm>> -> memref<10000x128xf32, #tpu.memory_space<hbm>>
      tpu.wait_indirect_dma semaphore(%arg14 : memref<!tpu.dma_semaphore, #tpu.memory_space<semaphore_mem>>) src(%dma_wait3A_82 : memref<10000x128xf32, #tpu.memory_space<hbm>>) dst(%arg11 : memref<125x128xf32, #tpu.memory_space<vmem>>)
      %run_scoped3A_83 = arith.constant 38 : i32
      "tpu.region"() ({
        %run_scoped3A_92 = tpu.sem_alloc : memref<!tpu.dma_semaphore, #tpu.memory_space<semaphore_mem>>
        %dma_start3A_93 = arith.constant 0 : i32
        %dma_start3A_94 = tpu.memref_slice %arg10[%run_scoped3A_83, %dma_start3A_93] : memref<40x125xi32, #tpu.memory_space<vmem>> -> memref<1x125xi32, #tpu.memory_space<vmem>>
        %dma_start3A_95 = tpu.memref_squeeze %dma_start3A_94 : memref<1x125xi32, #tpu.memory_space<vmem>> -> memref<125xi32, #tpu.memory_space<vmem>>
        %dma_start3A_96 = arith.constant 0 : i32
        %dma_start3A_97 = arith.constant 0 : i32
        %dma_start3A_98 = tpu.memref_slice %arg13[%dma_start3A_96, %dma_start3A_97] : memref<10240x128xf32, #tpu.memory_space<vmem_shared>> -> memref<10240x128xf32, #tpu.memory_space<vmem_shared>>
        tpu.enqueue_indirect_dma source(%arg11 : memref<125x128xf32, #tpu.memory_space<vmem>>) target(%dma_start3A_98 : memref<10240x128xf32, #tpu.memory_space<vmem_shared>>) offsets(%dma_start3A_95 : memref<125xi32, #tpu.memory_space<vmem>>) semaphore(%run_scoped3A_92 : memref<!tpu.dma_semaphore, #tpu.memory_space<semaphore_mem>>) {add = true}
        %dma_wait3A_99 = arith.constant 0 : i32
        %dma_wait3A_100 = tpu.memref_slice %arg10[%run_scoped3A_83, %dma_wait3A_99] : memref<40x125xi32, #tpu.memory_space<vmem>> -> memref<1x125xi32, #tpu.memory_space<vmem>>
        %dma_wait3A_101 = tpu.memref_squeeze %dma_wait3A_100 : memref<1x125xi32, #tpu.memory_space<vmem>> -> memref<125xi32, #tpu.memory_space<vmem>>
        %dma_wait3A_102 = arith.constant 0 : i32
        %dma_wait3A_103 = arith.constant 0 : i32
        %dma_wait3A_104 = tpu.memref_slice %arg13[%dma_wait3A_102, %dma_wait3A_103] : memref<10240x128xf32, #tpu.memory_space<vmem_shared>> -> memref<10240x128xf32, #tpu.memory_space<vmem_shared>>
        tpu.wait_indirect_dma semaphore(%run_scoped3A_92 : memref<!tpu.dma_semaphore, #tpu.memory_space<semaphore_mem>>) src(%arg11 : memref<125x128xf32, #tpu.memory_space<vmem>>) dst(%dma_wait3A_104 : memref<10240x128xf32, #tpu.memory_space<vmem_shared>>)
        tpu.yield
      }) : () -> ()
      %dma_wait3A_84 = arith.constant 0 : i32
      %dma_wait3A_85 = arith.constant 0 : i32
      %dma_wait3A_86 = tpu.memref_slice %arg9[%dma_wait3A_84, %dma_wait3A_85] : memref<40x125xi32, #tpu.memory_space<vmem>> -> memref<1x125xi32, #tpu.memory_space<vmem>>
      %dma_wait3A_87 = tpu.memref_squeeze %dma_wait3A_86 : memref<1x125xi32, #tpu.memory_space<vmem>> -> memref<125xi32, #tpu.memory_space<vmem>>
      %dma_wait3A_88 = arith.constant 0 : i32
      %dma_wait3A_89 = arith.constant 0 : i32
      %dma_wait3A_90 = tpu.memref_slice %arg3[%dma_wait3A_88, %dma_wait3A_89] : memref<10000x128xf32, #tpu.memory_space<hbm>> -> memref<10000x128xf32, #tpu.memory_space<hbm>>
      tpu.wait_indirect_dma semaphore(%arg15 : memref<!tpu.dma_semaphore, #tpu.memory_space<semaphore_mem>>) src(%dma_wait3A_90 : memref<10000x128xf32, #tpu.memory_space<hbm>>) dst(%arg12 : memref<125x128xf32, #tpu.memory_space<vmem>>)
      %run_scoped3A_91 = arith.constant 39 : i32
      "tpu.region"() ({
        %run_scoped3A_92 = tpu.sem_alloc : memref<!tpu.dma_semaphore, #tpu.memory_space<semaphore_mem>>
        %dma_start3A_93 = arith.constant 0 : i32
        %dma_start3A_94 = tpu.memref_slice %arg10[%run_scoped3A_91, %dma_start3A_93] : memref<40x125xi32, #tpu.memory_space<vmem>> -> memref<1x125xi32, #tpu.memory_space<vmem>>
        %dma_start3A_95 = tpu.memref_squeeze %dma_start3A_94 : memref<1x125xi32, #tpu.memory_space<vmem>> -> memref<125xi32, #tpu.memory_space<vmem>>
        %dma_start3A_96 = arith.constant 0 : i32
        %dma_start3A_97 = arith.constant 0 : i32
        %dma_start3A_98 = tpu.memref_slice %arg13[%dma_start3A_96, %dma_start3A_97] : memref<10240x128xf32, #tpu.memory_space<vmem_shared>> -> memref<10240x128xf32, #tpu.memory_space<vmem_shared>>
        tpu.enqueue_indirect_dma source(%arg12 : memref<125x128xf32, #tpu.memory_space<vmem>>) target(%dma_start3A_98 : memref<10240x128xf32, #tpu.memory_space<vmem_shared>>) offsets(%dma_start3A_95 : memref<125xi32, #tpu.memory_space<vmem>>) semaphore(%run_scoped3A_92 : memref<!tpu.dma_semaphore, #tpu.memory_space<semaphore_mem>>) {add = true}
        %dma_wait3A_99 = arith.constant 0 : i32
        %dma_wait3A_100 = tpu.memref_slice %arg10[%run_scoped3A_91, %dma_wait3A_99] : memref<40x125xi32, #tpu.memory_space<vmem>> -> memref<1x125xi32, #tpu.memory_space<vmem>>
        %dma_wait3A_101 = tpu.memref_squeeze %dma_wait3A_100 : memref<1x125xi32, #tpu.memory_space<vmem>> -> memref<125xi32, #tpu.memory_space<vmem>>
        %dma_wait3A_102 = arith.constant 0 : i32
        %dma_wait3A_103 = arith.constant 0 : i32
        %dma_wait3A_104 = tpu.memref_slice %arg13[%dma_wait3A_102, %dma_wait3A_103] : memref<10240x128xf32, #tpu.memory_space<vmem_shared>> -> memref<10240x128xf32, #tpu.memory_space<vmem_shared>>
        tpu.wait_indirect_dma semaphore(%run_scoped3A_92 : memref<!tpu.dma_semaphore, #tpu.memory_space<semaphore_mem>>) src(%arg12 : memref<125x128xf32, #tpu.memory_space<vmem>>) dst(%dma_wait3A_104 : memref<10240x128xf32, #tpu.memory_space<vmem_shared>>)
        tpu.yield
      }) : () -> ()
    } else {
    }
    %barrier3A = arith.constant 0 : index
    tpu.barrier barrier_id(%barrier3A)
    %eq3A_8 = arith.constant 0 : i32
    %eq3A_9 = arith.cmpi eq, %arg0, %eq3A_8 : i32
    %convert_element_type3A_10 = arith.extui %eq3A_9 : i1 to i32
    %cond3A_11 = arith.constant 0 : i32
    %cond3A_12 = arith.cmpi ne, %convert_element_type3A_10, %cond3A_11 : i32
    scf.if %cond3A_12 {
      "tpu.region"() ({
        %run_scoped3A = tpu.sem_alloc : memref<!tpu.dma_semaphore, #tpu.memory_space<semaphore_mem>>
        %dma_start3A = arith.constant 0 : i32
        %dma_start3A_18 = tpu.memref_slice %arg7[%mul3A_0, %dma_start3A] : memref<10240x128xf32, #tpu.memory_space<hbm>> -> memref<640x128xf32, #tpu.memory_space<hbm>>
        %dma_start3A_19 = arith.constant 0 : i32
        %dma_start3A_20 = tpu.memref_slice %arg13[%mul3A_0, %dma_start3A_19] : memref<10240x128xf32, #tpu.memory_space<vmem_shared>> -> memref<640x128xf32, #tpu.memory_space<vmem_shared>>
        tpu.enqueue_dma source(%dma_start3A_20 : memref<640x128xf32, #tpu.memory_space<vmem_shared>>) target(%dma_start3A_18 : memref<640x128xf32, #tpu.memory_space<hbm>>) target_semaphore(%run_scoped3A : memref<!tpu.dma_semaphore, #tpu.memory_space<semaphore_mem>>)
        %dma_wait3A = arith.constant 0 : i32
        %dma_wait3A_21 = tpu.memref_slice %arg7[%mul3A_0, %dma_wait3A] : memref<10240x128xf32, #tpu.memory_space<hbm>> -> memref<640x128xf32, #tpu.memory_space<hbm>>
        %dma_wait3A_22 = arith.constant 0 : i32
        %dma_wait3A_23 = tpu.memref_slice %arg13[%mul3A_0, %dma_wait3A_22] : memref<10240x128xf32, #tpu.memory_space<vmem_shared>> -> memref<640x128xf32, #tpu.memory_space<vmem_shared>>
        tpu.wait_dma2 semaphore(%run_scoped3A : memref<!tpu.dma_semaphore, #tpu.memory_space<semaphore_mem>>) src(%dma_wait3A_23 : memref<640x128xf32, #tpu.memory_space<vmem_shared>>) dst(%dma_wait3A_21 : memref<640x128xf32, #tpu.memory_space<hbm>>)
        tpu.yield
      }) : () -> ()
    } else {
    }
    %eq3A_13 = arith.constant 1 : i32
    %eq3A_14 = arith.cmpi eq, %arg0, %eq3A_13 : i32
    %convert_element_type3A_15 = arith.extui %eq3A_14 : i1 to i32
    %cond3A_16 = arith.constant 0 : i32
    %cond3A_17 = arith.cmpi ne, %convert_element_type3A_15, %cond3A_16 : i32
    scf.if %cond3A_17 {
      "tpu.region"() ({
        %run_scoped3A = tpu.sem_alloc : memref<!tpu.dma_semaphore, #tpu.memory_space<semaphore_mem>>
        %dma_start3A = arith.constant 0 : i32
        %dma_start3A_18 = tpu.memref_slice %arg8[%mul3A_0, %dma_start3A] : memref<10240x128xf32, #tpu.memory_space<hbm>> -> memref<640x128xf32, #tpu.memory_space<hbm>>
        %dma_start3A_19 = arith.constant 0 : i32
        %dma_start3A_20 = tpu.memref_slice %arg13[%mul3A_0, %dma_start3A_19] : memref<10240x128xf32, #tpu.memory_space<vmem_shared>> -> memref<640x128xf32, #tpu.memory_space<vmem_shared>>
        tpu.enqueue_dma source(%dma_start3A_20 : memref<640x128xf32, #tpu.memory_space<vmem_shared>>) target(%dma_start3A_18 : memref<640x128xf32, #tpu.memory_space<hbm>>) target_semaphore(%run_scoped3A : memref<!tpu.dma_semaphore, #tpu.memory_space<semaphore_mem>>)
        %dma_wait3A = arith.constant 0 : i32
        %dma_wait3A_21 = tpu.memref_slice %arg8[%mul3A_0, %dma_wait3A] : memref<10240x128xf32, #tpu.memory_space<hbm>> -> memref<640x128xf32, #tpu.memory_space<hbm>>
        %dma_wait3A_22 = arith.constant 0 : i32
        %dma_wait3A_23 = tpu.memref_slice %arg13[%mul3A_0, %dma_wait3A_22] : memref<10240x128xf32, #tpu.memory_space<vmem_shared>> -> memref<640x128xf32, #tpu.memory_space<vmem_shared>>
        tpu.wait_dma2 semaphore(%run_scoped3A : memref<!tpu.dma_semaphore, #tpu.memory_space<semaphore_mem>>) src(%dma_wait3A_23 : memref<640x128xf32, #tpu.memory_space<vmem_shared>>) dst(%dma_wait3A_21 : memref<640x128xf32, #tpu.memory_space<hbm>>)
        tpu.yield
      }) : () -> ()
    } else {
    }
    return
  }
}

module attributes {stable_mosaic.version = 14 : i64} {
  func.func @mm(%arg0: i32, %arg1: memref<2000x128xf32, #tpu.memory_space<vmem>>, %arg2: memref<2000x128xf32, #tpu.memory_space<vmem>>, %arg3: memref<128x256xbf16, #tpu.memory_space<vmem>>, %arg4: memref<128x256xbf16, #tpu.memory_space<vmem>>, %arg5: memref<2000x256xf32, #tpu.memory_space<vmem>>) attributes {dimension_semantics = [#tpu.dimension_semantics<arbitrary>], iteration_bounds = array<i64: 5>, scalar_prefetch = 0 : i64, scratch_operands = 0 : i64, tpu.core_type = #tpu.core_type<tc>, window_params = [{transform_indices = @transform_0, window_bounds = array<i64: 2000, 128>}, {transform_indices = @transform_1, window_bounds = array<i64: 2000, 128>}, {pipeline_mode = #tpu.pipeline_mode<synchronous>, transform_indices = @transform_2, window_bounds = array<i64: 128, 256>}, {pipeline_mode = #tpu.pipeline_mode<synchronous>, transform_indices = @transform_3, window_bounds = array<i64: 128, 256>}, {transform_indices = @transform_4, window_bounds = array<i64: 2000, 256>}]} {
    %get3A = arith.constant 0 : index
    %get3A_0 = arith.constant 0 : index
    %get3A_1 = vector.load %arg1[%get3A, %get3A_0] : memref<2000x128xf32, #tpu.memory_space<vmem>>, vector<2000x128xf32>
    %convert_element_type3A = arith.truncf %get3A_1 : vector<2000x128xf32> to vector<2000x128xbf16>
    %get3A_2 = arith.constant 0 : index
    %get3A_3 = arith.constant 0 : index
    %get3A_4 = vector.load %arg2[%get3A_2, %get3A_3] : memref<2000x128xf32, #tpu.memory_space<vmem>>, vector<2000x128xf32>
    %convert_element_type3A_5 = arith.truncf %get3A_4 : vector<2000x128xf32> to vector<2000x128xbf16>
    %get3A_6 = arith.constant 0 : index
    %get3A_7 = arith.constant 0 : index
    %get3A_8 = vector.load %arg3[%get3A_6, %get3A_7] : memref<128x256xbf16, #tpu.memory_space<vmem>>, vector<128x256xbf16>
    %dot_general3A = arith.constant dense<0.000000e+00> : vector<2000x256xf32>
    %dot_general3A_9 = tpu.matmul %convert_element_type3A, %get3A_8, %dot_general3A {dimension_numbers = #tpu.dot_dimension_numbers<[1], [0], [0], [1], [0, 0, 1, 1], [], []>, transpose_lhs_hint = false} : vector<2000x128xbf16>, vector<128x256xbf16>, vector<2000x256xf32> -> vector<2000x256xf32>
    %get3A_10 = arith.constant 0 : index
    %get3A_11 = arith.constant 0 : index
    %get3A_12 = vector.load %arg4[%get3A_10, %get3A_11] : memref<128x256xbf16, #tpu.memory_space<vmem>>, vector<128x256xbf16>
    %dot_general3A_13 = arith.constant dense<0.000000e+00> : vector<2000x256xf32>
    %dot_general3A_14 = tpu.matmul %convert_element_type3A_5, %get3A_12, %dot_general3A_13 {dimension_numbers = #tpu.dot_dimension_numbers<[1], [0], [0], [1], [0, 0, 1, 1], [], []>, transpose_lhs_hint = false} : vector<2000x128xbf16>, vector<128x256xbf16>, vector<2000x256xf32> -> vector<2000x256xf32>
    %add3A = arith.addf %dot_general3A_9, %dot_general3A_14 : vector<2000x256xf32>
    %swap3A = arith.constant 0 : index
    %swap3A_15 = arith.constant 0 : index
    %swap3A_16 = vector.load %arg5[%swap3A, %swap3A_15] : memref<2000x256xf32, #tpu.memory_space<vmem>>, vector<2000x256xf32>
    tpu.vector_store %arg5[%swap3A, %swap3A_15], %add3A {strides = array<i32>} : memref<2000x256xf32, #tpu.memory_space<vmem>>, vector<2000x256xf32>,
    return
  }
  func.func @transform_0(%arg0: i32) -> (i32, i32) {
    %c0_i32 = arith.constant 0 : i32
    %c0_i32_0 = arith.constant 0 : i32
    return %arg0, %c0_i32 : i32, i32
  }
  func.func @transform_1(%arg0: i32) -> (i32, i32) {
    %c0_i32 = arith.constant 0 : i32
    %c0_i32_0 = arith.constant 0 : i32
    return %arg0, %c0_i32 : i32, i32
  }
  func.func @transform_2(%arg0: i32) -> (i32, i32) {
    %c0_i32 = arith.constant 0 : i32
    %c0_i32_0 = arith.constant 0 : i32
    %c0_i32_1 = arith.constant 0 : i32
    return %c0_i32, %c0_i32_0 : i32, i32
  }
  func.func @transform_3(%arg0: i32) -> (i32, i32) {
    %c0_i32 = arith.constant 0 : i32
    %c0_i32_0 = arith.constant 0 : i32
    %c0_i32_1 = arith.constant 0 : i32
    return %c0_i32, %c0_i32_0 : i32, i32
  }
  func.func @transform_4(%arg0: i32) -> (i32, i32) {
    %c0_i32 = arith.constant 0 : i32
    %c0_i32_0 = arith.constant 0 : i32
    return %arg0, %c0_i32 : i32, i32
  }
}

</mosaic_0001>

<sc_bundles>
// kernel: kernel.4.cloned.1.call-start
scs
__scs_entry_jumppad:
0x0: {  	(pc) =	sbr.rel $0x88, $3  }
0x1: {  	(tag) =	ssettag $0x0;
	lr =	simm.s32 $0x1  }
0x2: {  	[smem:$0x3F9E] =	sst lr;
	_ =	strace $0xD0000000  }
0x3: {  	_ = 	snop  }
0x4: {  	_ = 	snop  }
0x5: {  	_ = 	snop  }
0x6: {  	_ = 	snop  }
0x7: {  	_ = 	snop  }
__scs_overlays_trampoline_lowered:
0x8: {  	[smem:$0x3FAD] =	sst s0  }
0x9: {  	[smem:$0x3FAE] =	sst s1  }
0xa: {  	[smem:$0x3FAF] =	sst s2  }
0xb: {  	[smem:$0x3FB0] =	sst s3  }
0xc: {  	[smem:$0x3FB1] =	sst s4  }
0xd: {  	[smem:$0x3FB2] =	sst s5  }
0xe: {  	[smem:$0x3FB3] =	sst s6  }
0xf: {  	[smem:$0x3FB4] =	sst s7  }
0x10: {  	[smem:$0x3FB5] =	sst s8  }
0x11: {  	[smem:$0x3FB6] =	sst s9;
	s0 =	simm.s32 @!p0 $0x0  }
0x12: {  	s1 =	sld [smem:$0x3F9C];
	s0 =	simm.s32 @p0 $0x1  }
0x13: {  	[smem:$0x3FB7] =	sst s0;
	s0 =	simm.s32 @!p1 $0x0  }
0x14: {  	s2 =	sld [smem:$0x3F9B];
	s0 =	simm.s32 @p1 $0x1  }
0x15: {  	[smem:$0x3FB8] =	sst s0;
	s0 =	simm.s32 @!p2 $0x0  }
0x16: {  	s3 =	sld [smem:$0x3FDB];
	s0 =	simm.s32 @p2 $0x1  }
0x17: {  	s4 =	simm.s32 $0x1BF5;
	[smem:$0x3FBA] =	sst s0  }
0x18: {  	s0 =	sld [smem:$0x3F9D];
	_ =	swait.ge [sflag:s4], $0x0  }
0x19: {  	s7 =	sld [smem:$0x3F9E]  }
0x1a: {  	s8 =	sadd.s32 $0xFFFFE003, lr  }
0x1b: {  	s9 =	sadd.s32 $0xFFFFFEF7, lr;
	s5 =	simm.s32 $0xFFFFFFFF;
	p2 =	slt.u32 s8, $0xFFFFF086  }
0x1c: {  	p1 =	slt.u32 s9, $0xF7A;
	s5 =	simm.s32 @!p2 $0x0  }
0x1d: {  	s5 =	simm.s32 @p1 $0x1;
	p0 =	seq.s32 s7, s2  }
0x1e: {  	s7 =	smul.u32 @!p0 $0xF7A, s2;
	p2 =	seq.s32 @!p0 s5, $0x0  }
0x1f: {  	s9 =	smul.u32 $0xF7A, s1;
	s8 =	simm.s32 @!p0 $0x1BF5;
	p2 =	por !p2, p0  }
0x20: {  	[sflag:s8] =	ssyncset.s32 @!p0 $0xFFFFF086;
	s6 =	sadd.s32 @!p0 s3, s7;
	s7 =	simm.s32 @!p0 $0x108  }
0x21: {  	s3 =	sadd.s32 s3, s9;
	s6 =	sadd.s32 @!p0 $0x88, s6;
	s7 =	simm.s32 @p2 $0x1082  }
0x22: {  	[simem:s7], [sflag:s8] =	dma.local @!p0 [hbm:s6], $0xF7A  }
0x23: {  	s9 =	sor.u32 $0xD0000000, s2;
	s6 =	simm.s32 $0x108;
	_ =	swait.ge @!p0 [sflag:s8], $0x0  }
0x24: {  	s3 =	sadd.s32 $0x88, s3;
	s6 =	simm.s32 @!p1 $0x1082;
	[sflag:s4] =	ssyncset.s32 $0xFFFFF086  }
0x25: {  	[simem:s6], [sflag:s4] =	dma.local [hbm:s3], $0xF7A  }
0x26: {  	[smem:$0x3F9E] =	sst s1;
	(tag) =	ssettag s2;
	_ =	strace s9  }
0x27: {  	s1 =	sld [smem:$0x3FAE]  }
0x28: {  	s2 =	sld [smem:$0x3FAF]  }
0x29: {  	s4 =	sld [smem:$0x3FB1]  }
0x2a: {  	p0 =	seq.s32 s5, $0x0;
	s5 =	sld [smem:$0x3FB2]  }
0x2b: {  	s6 =	sld [smem:$0x3FB3]  }
0x2c: {  	s7 =	sld [smem:$0x3FB4]  }
0x2d: {  	s3 =	simm.s32 $0x108;
	s8 =	sld [smem:$0x3FB5]  }
0x2e: {  	s3 =	simm.s32 @!p0 $0x1082;
	s9 =	sld [smem:$0x3FB6]  }
0x2f: {  	lr =	sadd.s32 s0, s3;
	s0 =	sld [smem:$0x3FAD]  }
0x30: {  	s3 =	sld [smem:$0x3FB0]  }
0x31: {  	[smem:$0x3FB9] =	sst s10  }
0x32: {  	s10 =	sld [smem:$0x3FB7];
	_ =	sdelay $0x3  }
0x33: {  	p0 =	seq.s32 s10, $0x1;
	s10 =	sld [smem:$0x3FB9];
	_ =	sdelay $0x3  }
0x34: {  	[smem:$0x3FB9] =	sst s10  }
0x35: {  	s10 =	sld [smem:$0x3FB8];
	_ =	sdelay $0x3  }
0x36: {  	p1 =	seq.s32 s10, $0x1;
	s10 =	sld [smem:$0x3FB9];
	_ =	sdelay $0x3  }
0x37: {  	[smem:$0x3FB9] =	sst s10  }
0x38: {  	s10 =	sld [smem:$0x3FBA]  }
0x39: {  	_ = 	snop;
	(pc) =	sbr.ind lr, $3  }
0x3a: {  	_ = 	snop  }
0x3b: {  	_ = 	snop  }
0x3c: {  	p2 =	seq.s32 s10, $0x1;
	s10 =	sld [smem:$0x3FB9]  }
0x3d: {  	_ =	shalt  }
0x3e: {  	_ =	shalt  }
0x3f: {  	_ =	shalt  }
0x40: {  	_ =	shalt  }
0x41: {  	_ =	shalt  }
0x42: {  	_ =	shalt  }
0x43: {  	_ =	shalt  }
0x44: {  	_ =	shalt  }
0x45: {  	_ =	shalt  }
0x46: {  	_ =	shalt  }
0x47: {  	_ =	shalt  }
0x48: {  	_ =	shalt  }
0x49: {  	_ =	shalt  }
0x4a: {  	_ =	shalt  }
0x4b: {  	_ =	shalt  }
0x4c: {  	_ =	shalt  }
0x4d: {  	_ =	shalt  }
0x4e: {  	_ =	shalt  }
0x4f: {  	_ =	shalt  }
0x50: {  	_ =	shalt  }
0x51: {  	_ =	shalt  }
0x52: {  	_ =	shalt  }
0x53: {  	_ =	shalt  }
0x54: {  	_ =	shalt  }
0x55: {  	_ =	shalt  }
0x56: {  	_ =	shalt  }
0x57: {  	_ =	shalt  }
0x58: {  	_ =	shalt  }
0x59: {  	_ =	shalt  }
0x5a: {  	_ =	shalt  }
0x5b: {  	_ =	shalt  }
0x5c: {  	_ =	shalt  }
0x5d: {  	_ =	shalt  }
0x5e: {  	_ =	shalt  }
0x5f: {  	_ =	shalt  }
0x60: {  	_ =	shalt  }
0x61: {  	_ =	shalt  }
0x62: {  	_ =	shalt  }
0x63: {  	_ =	shalt  }
0x64: {  	_ =	shalt  }
0x65: {  	_ =	shalt  }
0x66: {  	_ =	shalt  }
0x67: {  	_ =	shalt  }
0x68: {  	_ =	shalt  }
0x69: {  	_ =	shalt  }
0x6a: {  	_ =	shalt  }
0x6b: {  	_ =	shalt  }
0x6c: {  	_ =	shalt  }
0x6d: {  	_ =	shalt  }
0x6e: {  	_ =	shalt  }
0x6f: {  	_ =	shalt  }
0x70: {  	_ =	shalt  }
0x71: {  	_ =	shalt  }
0x72: {  	_ =	shalt  }
0x73: {  	_ =	shalt  }
0x74: {  	_ =	shalt  }
0x75: {  	_ =	shalt  }
0x76: {  	_ =	shalt  }
0x77: {  	_ =	shalt  }
0x78: {  	_ =	shalt  }
0x79: {  	_ =	shalt  }
0x7a: {  	_ =	shalt  }
0x7b: {  	_ =	shalt  }
0x7c: {  	_ =	shalt  }
0x7d: {  	_ =	shalt  }
0x7e: {  	_ =	shalt  }
0x7f: {  	_ =	shalt  }
0x80: {  	_ =	shalt  }
0x81: {  	_ =	shalt  }
0x82: {  	_ =	shalt  }
0x83: {  	_ =	shalt  }
0x84: {  	_ =	shalt  }
0x85: {  	_ =	shalt  }
0x86: {  	_ =	shalt  }
0x87: {  	_ =	shalt  }
.Lfunc_end0:
.L_simem_size_0:
called_computation_lowered:
.L_overlay_start_0:
0x88: {  	s2 =	sld [smem:$0x3FD9]  }
0x89: {  	s3 =	sld [smem:$0x3FFE];
	_ =	sdelay $0x1  }
0x8a: {  	s1 =	srdreg.scid  }
0x8b: {  	s0 =	sand.u32 $0x1, s1  }
0x8c: {  	s17 =	sshll.u32 s0, $0xA;
	s2 =	sadd.s32 s3, s2  }
0x8d: {  	s2 =	sadd.s32 s2, s17  }
0x8e: {  	[smem:$0x3FC5] =	sst s2  }
0x8f: {  	_ = 	snop  }
0x90: {  	s2 =	sld [smem:$0x3FD0];
	(tm) =	ssettm $0x1  }
0x91: {  	s18 =	sld [smem:$0x3FFB];
	_ =	sdelay $0x3  }
0x92: {  	_ =	strace s18  }
0x93: {  	s3 =	sld [smem:$0x3FFC];
	_ =	sdelay $0x3  }
0x94: {  	_ =	strace s3  }
0x95: {  	s3 =	sld [smem:$0x3FFD];
	_ =	sdelay $0x3  }
0x96: {  	_ =	strace s3  }
0x97: {  	_ =	strace $0x8FFFFFFF  }
0x98: {  	s19 =	sld [smem:$0x3FDB];
	_ =	sdelay $0x1  }
0x99: {  	s4 =	simm.s32 $_scs_section_size  }
0x9a: {  	s5 =	simm.s32 $_size__tile_overlayer_lowered;
	s6 =	simm.s32 $_tile_overlayer_lowered  }
0x9b: {  	s22 =	simm.s32 $0x1BFF;
	s21 =	sshll.u32 s6, $0x1;
	s3 =	sadd.s32 s4, s19  }
0x9c: {  	s7 =	simm.s32 $0x0;
	s20 =	sshll.u32 s5, $0x1;
	s5 =	sadd.s32 s21, s3  }
0x9d: {  	[timem:s7], [sflag:s22] =	dma.local [hbm:s5], s20  }
0x9e: {  	_ =	swait.ge [sflag:s22], s20  }
0x9f: {  	s4 =	ssub.s32 $0x0, s20;
	[sflag:s22] =	ssyncset.done $0x0  }
0xa0: {  	[sflag:s22] =	ssyncadd.s32 s4;
	_ =	sdelay $0x1  }
0xa1: {  	s23 =	simm.s32 $0x1B8B  }
0xa2: {  	_ =	swait.ge [sflag:s23], $0x1  }
0xa3: {  	[sflag:s23] =	ssyncset.done $0x0  }
0xa4: {  	s25 =	simm.s32 $0x1B8E;
	s24 =	sld [smem:$0x3FFE];
	[sflag:s23] =	ssyncadd.s32 $0xFFFFFFFF  }
0xa5: {  	s26 =	simm.s32 $execute0_lowered;
	[smem:$0x3FD2] =	sst s25  }
0xa6: {  	s5 =	sshll.u32 s26, $0x1;
	_ =	strace $0x80000046;
	[dreg:$0x1] =	wrdreg $0xFFFFFFFF  }
0xa7: {  	s28 =	simm.s32 $_size_execute0_lowered;
	s3 =	sadd.s32 s3, s5;
	[dreg:$0x0] =	wrdreg $0x0  }
0xa8: {  	s5 =	sshll.u32 s28, $0x1;
	[dreg:$0x2] =	wrdreg s3  }
0xa9: {  	[dreg:$0x3] =	wrdreg s5  }
0xaa: {  	[dreg:$0x4] =	wrdreg $0xC0  }
0xab: {  	_ =	task [dreg:s7], $0x5FFFF  }
0xac: {  	[dreg:$0x1] =	wrdreg $0xFFFFFFFF  }
0xad: {  	[dreg:$0x0] =	wrdreg $0x60  }
0xae: {  	[dreg:$0x2] =	wrdreg s24  }
0xaf: {  	[dreg:$0x3] =	wrdreg s2  }
0xb0: {  	[dreg:$0x4] =	wrdreg $0xA8000  }
0xb1: {  	[dreg:$0x5] =	wrdreg $0x9  }
0xb2: {  	_ =	task.clear_ibuf [dreg:s7], $0x6FFFF;
	_ =	strace $0x90000046  }
0xb3: {  	s29 =	simm.s32 $0x9;
	_ =	strace $0x80000048  }
0xb4: {  	_ =	swait.ge [sflag:s29], $0x1  }
0xb5: {  	[sflag:s29] =	ssyncadd.s32 $0xFFFFFFFF  }
0xb6: {  	_ =	strace $0x90000048  }
0xb7: {  	_ =	sfence  }
0xb8: {  	s30 =	sld [smem:$0x0];
	_ =	sdelay $0x2  }
0xb9: {  	s31 =	sshll.u32 s1, $0xD;
	s1 =	sshrl.u32 s1, $0x2  }
0xba: {  	s3 =	sand.u32 $0x4000, s31;
	s1 =	sadd.s32 s1, s30  }
0xbb: {  	s0 =	sor.u32 s3, s0;
	s1 =	sshll.u32 s1, $0x11  }
0xbc: {  	s0 =	sor.u32 s1, s0  }
0xbd: {  	s0 =	sadd.s32 $0x8F2B, s0  }
0xbe: {  	[sflag:s0] =	ssyncadd.remote.s32 $0x1  }
0xbf: {  	_ =	sfence.sel $0xFFFF  }
0xc0: {  	[dreg:$0x0] =	wrdreg $0xFFFFFFFF;
	(pc) =	sbr.abs _section_cstart, $3  }
0xc1: {  	[dreg:$0x1] =	wrdreg $0xFFFFFFFF  }
0xc2: {  	_ =	task.clear_ibuf [dreg:s7], $0x2FFFF;
	_ =	strace $0x9FFFFFFF  }
0xc3: {  	(tm) =	ssettm $0x7FFFFFFF  }
tec
execute0_lowered:
.L_overlay_start_1:
0x0: {  	(tag) =	ssettag $0x1  }
0x1: {  	s9 =	rddreg [dreg:$0x0]  }
0x2: {  	s1 =	rddreg [dreg:$0x1]  }
0x3: {  	s2 =	rddreg [dreg:$0x2];
	s3 =	simm.s32 $0x0  }
0x4: {  	s7 =	srdreg.scid;
	s0 =	stileid.u32;
	s19 =	simm.s32 $0x7D  }
0x5: {  	s20 =	simm.s32 $0x2800;
	s21 =	simm.s32 $0x6800;
	s22 =	simm.s32 $0x1  }
0x6: {  	s23 =	simm.s32 $0x2;
	s24 =	simm.s32 $0x1380;
	s25 =	simm.s32 $0x2700  }
0x7: {  	s26 =	simm.s32 $0x2780;
	s28 =	simm.s32 $0x0;
	[smem:$0x7FF] =	sst s3  }
0x8: {  	s5 =	sadd.s32 $0x27E00, s9;
	s6 =	sadd.s32 $0xC00, s9;
	s13 =	sadd.s32 $0x4F000, s9  }
0x9: {  	s16 =	sand.u32 $0x1, s7;
	s14 =	sadd.s32 $0x54000, s9;
	s11 =	smul.u32 $0x50000, s0  }
0xa: {  	s7 =	sadd.s32 $0x59000, s9;
	s8 =	smul.u32 $0x2800, s0;
	s9 =	sadd.s32 $0x5B800, s9  }
0xb: {  	s30 =	sshll.u32 s0, $0x6;
	s31 =	smul.u32 $0x500, s0;
	s10 =	ssub.s32 $0x2, s16  }
0xc: {  	_ =	strace $0x80000047;
	p0 =	sne.s32 s16, $0x0;
	s12 =	sshrl.u32 s10, $0x1  }
.Ltmp0:
0xd: {  	s29 =	sshrl.u32 s11, $0x2;
	s17 =	sshrl.u32 s8, $0x3;
	(pc) =	sbr.rel .LBB2_1-.Ltmp0, $4  }
0xe: {  	s11 =	sadd.s32 s13, s31;
	s15 =	ssub.s32 s10, s12;
	s18 =	sadd.s32 s29, s2  }
0xf: {  	s10 =	sor.u32 $0x1C03, s30;
	s17 =	sadd.s32 $0x280, s17;
	s12 =	sadd.s32 s14, s31  }
0x10: {  	s13 =	sadd.s32 s13, s17;
	s14 =	sadd.s32 s14, s17;
	s15 =	smax.u32 s15, $0x1  }
0x11: {  	s16 =	sshrl.u32 s18, $0x3;
	s17 =	simm.s32 $0x3;
	s18 =	simm.s32 $0x1400  }
.LBB2_11:
0x12: {  	s0 =	sadd.s32 $0x80, s29;
	[sflag:s17] =	ssyncadd.s32 $0xFFFFC180  }
0x13: {  	[tilespmem:s21], [sflag:$0x2] =	stream.indirect.gather [hbm4b:s6+s19], $0x80, s0, s19, $0xb8;
	[tilespmem:$0x1E800] =	vst v63  }
0x14: {  	_ =	swait.ge [sflag:s22], $0x3E80  }
0x15: {  	[sflag:s22] =	ssyncset.done $0x0  }
0x16: {  	s31 =	sadd.s32 $0x1400, s29;
	[sflag:s22] =	ssyncadd.s32 $0xFFFFC180  }
0x17: {  	[spmem:s2] =	stream.indirect.scatter.add.f32 [tilespmem:s20], [sflag:$0x3], $0x80, s31, s19, $0xb8;
	[tilespmem:$0x1E800] =	vst v63  }
0x18: {  	_ =	swait.ge [sflag:s17], $0x3E80  }
0x19: {  	[sflag:s17] =	ssyncset.done $0x0  }
0x1a: {  	s4 =	sadd.s32 $0x100, s29;
	[sflag:s17] =	ssyncadd.s32 $0xFFFFC180  }
0x1b: {  	[tilespmem:s20], [sflag:$0x1] =	stream.indirect.gather [hbm4b:s6+s19], $0x80, s4, s19, $0xb8;
	[tilespmem:$0x1E800] =	vst v63  }
0x1c: {  	_ =	swait.ge [sflag:s23], $0x3E80  }
0x1d: {  	[sflag:s23] =	ssyncset.done $0x0  }
0x1e: {  	s31 =	sadd.s32 $0x1480, s29;
	[sflag:s23] =	ssyncadd.s32 $0xFFFFC180  }
0x1f: {  	[spmem:s2] =	stream.indirect.scatter.add.f32 [tilespmem:s21], [sflag:$0x3], $0x80, s31, s19, $0xb8;
	[tilespmem:$0x1E800] =	vst v63  }
0x20: {  	_ =	swait.ge [sflag:s17], $0x3E80  }
0x21: {  	[sflag:s17] =	ssyncset.done $0x0  }
0x22: {  	s30 =	smov.u32 s6;
	s29 =	smov.u32 s9;
	[sflag:s17] =	ssyncadd.s32 $0xFFFFC180  }
.LBB2_12:
0x23: {  	[tilespmem:s21], [sflag:$0x2] =	stream.indirect.gather [hbm4b:s30+s19], $0x80, s24, s19, $0xb8;
	[tilespmem:$0x1E800] =	vst v63  }
0x24: {  	_ =	swait.ge [sflag:s22], $0x3E80  }
0x25: {  	[sflag:s22] =	ssyncset.done $0x0  }
0x26: {  	[sflag:s22] =	ssyncadd.s32 $0xFFFFC180  }
0x27: {  	[spmem:s2] =	stream.indirect.scatter.add.f32 [tilespmem:s20], [sflag:$0x3], $0x80, s25, s19, $0xb8;
	[tilespmem:$0x1E800] =	vst v63  }
0x28: {  	_ =	swait.ge [sflag:s17], $0x3E80  }
0x29: {  	[sflag:s17] =	ssyncset.done $0x0  }
0x2a: {  	[sflag:s17] =	ssyncadd.s32 $0xFFFFC180  }
0x2b: {  	_ =	swait.ge [sflag:s23], $0x3E80  }
0x2c: {  	[sflag:s23] =	ssyncset.done $0x0  }
0x2d: {  	[sflag:s23] =	ssyncadd.s32 $0xFFFFC180  }
0x2e: {  	[spmem:s2] =	stream.indirect.scatter.add.f32 [tilespmem:s21], [sflag:$0x3], $0x80, s26, s19, $0xb8;
	[tilespmem:$0x1E800] =	vst v63  }
0x2f: {  	_ =	swait.ge [sflag:s17], $0x3E80  }
0x30: {  	s28 =	sadd.s32 $0x1, s28;
	[sflag:s17] =	ssyncset.done $0x0  }
0x31: {  	p1 =	sne.s32 s28, s15;
	[sflag:s17] =	ssyncadd.s32 $0xFFFFC180  }
.Ltmp1:
0x32: {  	s0 =	sadd.s32 s29, s8;
	[bflag:$0x0] =	sbarrier.arrive $0xFFFF;
	(pc) =	sbr.rel @!p1 .LBB2_13-.Ltmp1, $4  }
0x33: {  	[hbm:s0], [sflag:s10] =	dma.local [spmem:s16], $0x2800  }
0x34: {  	_ =	swait.ge [sflag:s17], $0x2800  }
0x35: {  	[sflag:s17] =	ssyncset.done $0x0  }
0x36: {  	[sflag:s17] =	ssyncadd.s32 $0xFFFFD800  }
.LBB2_1:
0x37: {  	[spmem:s16], [sflag:s10] =	dma.local [hbm:s7], $0x2800  }
0x38: {  	_ =	swait.ge [sflag:s17], $0x2800  }
0x39: {  	[sflag:s17] =	ssyncset.done $0x0  }
0x3a: {  	[sflag:s17] =	ssyncadd.s32 $0xFFFFD800  }
0x3b: {  	[tilespmem:s3], [sflag:$0x3] =	stream.linear.gather [hbm4b:s11+s3], $0x1400, $0x38;
	[tilespmem:$0x1E800] =	vst v63  }
0x3c: {  	_ =	swait.ge [sflag:s17], $0x1400  }
0x3d: {  	[sflag:s17] =	ssyncset.done $0x0  }
.Ltmp2:
0x3e: {  	[sflag:s17] =	ssyncadd.s32 $0xFFFFEC00;
	(pc) =	sbr.rel @p0 .LBB2_7-.Ltmp2, $4  }
0x3f: {  	[tilespmem:s18], [sflag:$0x3] =	stream.linear.gather [hbm4b:s12+s3], $0x1400, $0x38;
	[tilespmem:$0x1E800] =	vst v63  }
0x40: {  	_ =	swait.ge [sflag:s17], $0x1400  }
0x41: {  	[sflag:s17] =	ssyncset.done $0x0  }
0x42: {  	[sflag:s17] =	ssyncadd.s32 $0xFFFFEC00  }
0x43: {  	s29 =	simm.s32 $0x0  }
0x44: {  	[tilespmem:s20], [sflag:$0x1] =	stream.indirect.gather [hbm4b:s5+s19], $0x80, s29, s19, $0xb8;
	[tilespmem:$0x1E800] =	vst v63  }
0x45: {  	s29 =	simm.s32 $0x80;
	[bflag:$0x0] =	sbarrier.arrive $0xFFFF  }
0x46: {  	[tilespmem:s21], [sflag:$0x2] =	stream.indirect.gather [hbm4b:s5+s19], $0x80, s29, s19, $0xb8;
	[tilespmem:$0x1E800] =	vst v63  }
0x47: {  	_ =	swait.ge [sflag:s22], $0x3E80  }
0x48: {  	[sflag:s22] =	ssyncset.done $0x0  }
0x49: {  	s29 =	simm.s32 $0x1400;
	[sflag:s22] =	ssyncadd.s32 $0xFFFFC180  }
0x4a: {  	[spmem:s2] =	stream.indirect.scatter.add.f32 [tilespmem:s20], [sflag:$0x3], $0x80, s29, s19, $0xb8;
	[tilespmem:$0x1E800] =	vst v63  }
0x4b: {  	_ =	swait.ge [sflag:s17], $0x3E80  }
0x4c: {  	[sflag:s17] =	ssyncset.done $0x0  }
0x4d: {  	s29 =	simm.s32 $0x100;
	[sflag:s17] =	ssyncadd.s32 $0xFFFFC180  }
0x4e: {  	[tilespmem:s20], [sflag:$0x1] =	stream.indirect.gather [hbm4b:s5+s19], $0x80, s29, s19, $0xb8;
	[tilespmem:$0x1E800] =	vst v63  }
0x4f: {  	_ =	swait.ge [sflag:s23], $0x3E80  }
0x50: {  	[sflag:s23] =	ssyncset.done $0x0  }
0x51: {  	s29 =	simm.s32 $0x1480;
	[sflag:s23] =	ssyncadd.s32 $0xFFFFC180  }
0x52: {  	[spmem:s2] =	stream.indirect.scatter.add.f32 [tilespmem:s21], [sflag:$0x3], $0x80, s29, s19, $0xb8;
	[tilespmem:$0x1E800] =	vst v63  }
0x53: {  	_ =	swait.ge [sflag:s17], $0x3E80  }
0x54: {  	s30 =	simm.s32 $0x800;
	s29 =	simm.s32 $0x100;
	[sflag:s17] =	ssyncset.done $0x0  }
.LBB2_3:
0x55: {  	s31 =	sadd.s32 $0x80, s29  }
0x56: {  	[sflag:s17] =	ssyncadd.s32 $0xFFFFC180;
	s0 =	smov.u32 s30;
	s4 =	sadd.s32 $0x400, s30  }
0x57: {  	[tilespmem:s21], [sflag:$0x2] =	stream.indirect.gather [hbm4b:s5+s19], $0x80, s31, s19, $0xb8;
	[tilespmem:$0x1E800] =	vst v63  }
0x58: {  	p1 =	sne.s32 s30, $0x4800;
	_ =	swait.ge [sflag:s22], $0x3E80  }
0x59: {  	[sflag:s22] =	ssyncset.done $0x0  }
0x5a: {  	s30 =	sadd.s32 $0x1400, s29;
	[sflag:s22] =	ssyncadd.s32 $0xFFFFC180  }
0x5b: {  	[spmem:s2] =	stream.indirect.scatter.add.f32 [tilespmem:s20], [sflag:$0x3], $0x80, s30, s19, $0xb8;
	[tilespmem:$0x1E800] =	vst v63  }
0x5c: {  	_ =	swait.ge [sflag:s17], $0x3E80  }
0x5d: {  	[sflag:s17] =	ssyncset.done $0x0  }
0x5e: {  	s30 =	sadd.s32 $0x100, s29;
	[sflag:s17] =	ssyncadd.s32 $0xFFFFC180  }
0x5f: {  	[tilespmem:s20], [sflag:$0x1] =	stream.indirect.gather [hbm4b:s5+s19], $0x80, s30, s19, $0xb8;
	[tilespmem:$0x1E800] =	vst v63  }
0x60: {  	_ =	swait.ge [sflag:s23], $0x3E80  }
.Ltmp3:
0x61: {  	[sflag:s23] =	ssyncset.done $0x0;
	(pc) =	sbr.rel @p1 .LBB2_3-.Ltmp3, $4  }
0x62: {  	s29 =	sadd.s32 $0x1480, s29;
	[sflag:s23] =	ssyncadd.s32 $0xFFFFC180  }
0x63: {  	[spmem:s2] =	stream.indirect.scatter.add.f32 [tilespmem:s21], [sflag:$0x3], $0x80, s29, s19, $0xb8;
	[tilespmem:$0x1E800] =	vst v63  }
0x64: {  	_ =	swait.ge [sflag:s17], $0x3E80  }
0x65: {  	s30 =	smov.u32 s4;
	s29 =	sshra.s32 s0, $0x2;
	[sflag:s17] =	ssyncset.done $0x0  }
0x66: {  	s0 =	sadd.s32 $0x80, s29;
	[sflag:s17] =	ssyncadd.s32 $0xFFFFC180  }
0x67: {  	[tilespmem:s21], [sflag:$0x2] =	stream.indirect.gather [hbm4b:s5+s19], $0x80, s0, s19, $0xb8;
	[tilespmem:$0x1E800] =	vst v63  }
0x68: {  	_ =	swait.ge [sflag:s22], $0x3E80  }
0x69: {  	[sflag:s22] =	ssyncset.done $0x0  }
0x6a: {  	s4 =	sadd.s32 $0x1400, s29;
	[sflag:s22] =	ssyncadd.s32 $0xFFFFC180  }
0x6b: {  	[spmem:s2] =	stream.indirect.scatter.add.f32 [tilespmem:s20], [sflag:$0x3], $0x80, s4, s19, $0xb8;
	[tilespmem:$0x1E800] =	vst v63  }
0x6c: {  	_ =	swait.ge [sflag:s17], $0x3E80  }
0x6d: {  	[sflag:s17] =	ssyncset.done $0x0  }
0x6e: {  	s31 =	sadd.s32 $0x100, s29;
	[sflag:s17] =	ssyncadd.s32 $0xFFFFC180  }
0x6f: {  	[tilespmem:s20], [sflag:$0x1] =	stream.indirect.gather [hbm4b:s5+s19], $0x80, s31, s19, $0xb8;
	[tilespmem:$0x1E800] =	vst v63  }
0x70: {  	_ =	swait.ge [sflag:s23], $0x3E80  }
0x71: {  	[sflag:s23] =	ssyncset.done $0x0  }
0x72: {  	s4 =	sadd.s32 $0x1480, s29;
	[sflag:s23] =	ssyncadd.s32 $0xFFFFC180  }
0x73: {  	[spmem:s2] =	stream.indirect.scatter.add.f32 [tilespmem:s21], [sflag:$0x3], $0x80, s4, s19, $0xb8;
	[tilespmem:$0x1E800] =	vst v63  }
0x74: {  	_ =	swait.ge [sflag:s17], $0x3E80  }
0x75: {  	[sflag:s17] =	ssyncset.done $0x0  }
0x76: {  	[sflag:s17] =	ssyncadd.s32 $0xFFFFC180  }
0x77: {  	[tilespmem:s21], [sflag:$0x2] =	stream.indirect.gather [hbm4b:s5+s19], $0x80, s24, s19, $0xb8;
	[tilespmem:$0x1E800] =	vst v63  }
0x78: {  	_ =	swait.ge [sflag:s22], $0x3E80  }
0x79: {  	[sflag:s22] =	ssyncset.done $0x0  }
0x7a: {  	[sflag:s22] =	ssyncadd.s32 $0xFFFFC180  }
0x7b: {  	[spmem:s2] =	stream.indirect.scatter.add.f32 [tilespmem:s20], [sflag:$0x3], $0x80, s25, s19, $0xb8;
	[tilespmem:$0x1E800] =	vst v63  }
0x7c: {  	_ =	swait.ge [sflag:s17], $0x3E80  }
0x7d: {  	[sflag:s17] =	ssyncset.done $0x0  }
0x7e: {  	[sflag:s17] =	ssyncadd.s32 $0xFFFFC180  }
0x7f: {  	_ =	swait.ge [sflag:s23], $0x3E80  }
0x80: {  	[sflag:s23] =	ssyncset.done $0x0  }
0x81: {  	[sflag:s23] =	ssyncadd.s32 $0xFFFFC180  }
0x82: {  	[spmem:s2] =	stream.indirect.scatter.add.f32 [tilespmem:s21], [sflag:$0x3], $0x80, s26, s19, $0xb8;
	[tilespmem:$0x1E800] =	vst v63  }
0x83: {  	_ =	swait.ge [sflag:s17], $0x3E80  }
0x84: {  	[sflag:s17] =	ssyncset.done $0x0  }
0x85: {  	s31 =	simm.s32 $0x0;
	[sflag:s17] =	ssyncadd.s32 $0xFFFFC180  }
0x86: {  	[tilespmem:s31], [sflag:$0x3] =	stream.linear.gather [hbm4b:s13+s31], $0x1400, $0x38;
	[tilespmem:$0x1E800] =	vst v63  }
0x87: {  	_ =	swait.ge [sflag:s17], $0x1400  }
0x88: {  	[sflag:s17] =	ssyncset.done $0x0  }
0x89: {  	[sflag:s17] =	ssyncadd.s32 $0xFFFFEC00  }
0x8a: {  	[tilespmem:s18], [sflag:$0x3] =	stream.linear.gather [hbm4b:s14+s31], $0x1400, $0x38;
	[tilespmem:$0x1E800] =	vst v63  }
0x8b: {  	_ =	swait.ge [sflag:s17], $0x1400  }
0x8c: {  	[sflag:s17] =	ssyncset.done $0x0  }
0x8d: {  	[sflag:s17] =	ssyncadd.s32 $0xFFFFEC00  }
0x8e: {  	[tilespmem:s20], [sflag:$0x1] =	stream.indirect.gather [hbm4b:s5+s19], $0x80, s31, s19, $0xb8;
	[tilespmem:$0x1E800] =	vst v63  }
0x8f: {  	s4 =	simm.s32 $0x80  }
0x90: {  	[tilespmem:s21], [sflag:$0x2] =	stream.indirect.gather [hbm4b:s5+s19], $0x80, s4, s19, $0xb8;
	[tilespmem:$0x1E800] =	vst v63  }
0x91: {  	_ =	swait.ge [sflag:s22], $0x3E80  }
0x92: {  	[sflag:s22] =	ssyncset.done $0x0  }
0x93: {  	s31 =	simm.s32 $0x1400;
	[sflag:s22] =	ssyncadd.s32 $0xFFFFC180  }
0x94: {  	[spmem:s2] =	stream.indirect.scatter.add.f32 [tilespmem:s20], [sflag:$0x3], $0x80, s31, s19, $0xb8;
	[tilespmem:$0x1E800] =	vst v63  }
0x95: {  	_ =	swait.ge [sflag:s17], $0x3E80  }
0x96: {  	[sflag:s17] =	ssyncset.done $0x0  }
0x97: {  	s4 =	simm.s32 $0x100;
	[sflag:s17] =	ssyncadd.s32 $0xFFFFC180  }
0x98: {  	[tilespmem:s20], [sflag:$0x1] =	stream.indirect.gather [hbm4b:s5+s19], $0x80, s4, s19, $0xb8;
	[tilespmem:$0x1E800] =	vst v63  }
0x99: {  	_ =	swait.ge [sflag:s23], $0x3E80  }
0x9a: {  	[sflag:s23] =	ssyncset.done $0x0  }
0x9b: {  	s31 =	simm.s32 $0x1480;
	[sflag:s23] =	ssyncadd.s32 $0xFFFFC180  }
0x9c: {  	[spmem:s2] =	stream.indirect.scatter.add.f32 [tilespmem:s21], [sflag:$0x3], $0x80, s31, s19, $0xb8;
	[tilespmem:$0x1E800] =	vst v63  }
0x9d: {  	_ =	swait.ge [sflag:s17], $0x3E80  }
0x9e: {  	s30 =	simm.s32 $0x800;
	s29 =	simm.s32 $0x100;
	[sflag:s17] =	ssyncset.done $0x0  }
.LBB2_5:
0x9f: {  	s0 =	sadd.s32 $0x80, s29  }
0xa0: {  	[sflag:s17] =	ssyncadd.s32 $0xFFFFC180;
	s4 =	smov.u32 s30;
	s31 =	sadd.s32 $0x400, s30  }
0xa1: {  	[tilespmem:s21], [sflag:$0x2] =	stream.indirect.gather [hbm4b:s5+s19], $0x80, s0, s19, $0xb8;
	[tilespmem:$0x1E800] =	vst v63  }
0xa2: {  	p1 =	seq.s32 s30, $0x4800;
	_ =	swait.ge [sflag:s22], $0x3E80  }
0xa3: {  	[sflag:s22] =	ssyncset.done $0x0  }
0xa4: {  	s0 =	sadd.s32 $0x1400, s29;
	[sflag:s22] =	ssyncadd.s32 $0xFFFFC180  }
0xa5: {  	[spmem:s2] =	stream.indirect.scatter.add.f32 [tilespmem:s20], [sflag:$0x3], $0x80, s0, s19, $0xb8;
	[tilespmem:$0x1E800] =	vst v63  }
0xa6: {  	_ =	swait.ge [sflag:s17], $0x3E80  }
0xa7: {  	[sflag:s17] =	ssyncset.done $0x0  }
0xa8: {  	s0 =	sadd.s32 $0x100, s29;
	[sflag:s17] =	ssyncadd.s32 $0xFFFFC180  }
0xa9: {  	[tilespmem:s20], [sflag:$0x1] =	stream.indirect.gather [hbm4b:s5+s19], $0x80, s0, s19, $0xb8;
	[tilespmem:$0x1E800] =	vst v63  }
0xaa: {  	_ =	swait.ge [sflag:s23], $0x3E80  }
.Ltmp4:
0xab: {  	[sflag:s23] =	ssyncset.done $0x0;
	(pc) =	sbr.rel @!p1 .LBB2_5-.Ltmp4, $4  }
0xac: {  	s0 =	sadd.s32 $0x1480, s29;
	[sflag:s23] =	ssyncadd.s32 $0xFFFFC180  }
0xad: {  	[spmem:s2] =	stream.indirect.scatter.add.f32 [tilespmem:s21], [sflag:$0x3], $0x80, s0, s19, $0xb8;
	[tilespmem:$0x1E800] =	vst v63  }
0xae: {  	_ =	swait.ge [sflag:s17], $0x3E80  }
0xaf: {  	s30 =	smov.u32 s31;
	s29 =	sshra.s32 s4, $0x2;
	[sflag:s17] =	ssyncset.done $0x0  }
0xb0: {  	s0 =	sadd.s32 $0x80, s29;
	[sflag:s17] =	ssyncadd.s32 $0xFFFFC180  }
0xb1: {  	[tilespmem:s21], [sflag:$0x2] =	stream.indirect.gather [hbm4b:s5+s19], $0x80, s0, s19, $0xb8;
	[tilespmem:$0x1E800] =	vst v63  }
0xb2: {  	_ =	swait.ge [sflag:s22], $0x3E80  }
0xb3: {  	[sflag:s22] =	ssyncset.done $0x0  }
0xb4: {  	s31 =	sadd.s32 $0x1400, s29;
	[sflag:s22] =	ssyncadd.s32 $0xFFFFC180  }
0xb5: {  	[spmem:s2] =	stream.indirect.scatter.add.f32 [tilespmem:s20], [sflag:$0x3], $0x80, s31, s19, $0xb8;
	[tilespmem:$0x1E800] =	vst v63  }
0xb6: {  	_ =	swait.ge [sflag:s17], $0x3E80  }
0xb7: {  	[sflag:s17] =	ssyncset.done $0x0  }
0xb8: {  	s4 =	sadd.s32 $0x100, s29;
	[sflag:s17] =	ssyncadd.s32 $0xFFFFC180  }
0xb9: {  	[tilespmem:s20], [sflag:$0x1] =	stream.indirect.gather [hbm4b:s5+s19], $0x80, s4, s19, $0xb8;
	[tilespmem:$0x1E800] =	vst v63  }
0xba: {  	_ =	swait.ge [sflag:s23], $0x3E80  }
0xbb: {  	[sflag:s23] =	ssyncset.done $0x0  }
.Ltmp5:
0xbc: {  	s31 =	sadd.s32 $0x1480, s29;
	[sflag:s23] =	ssyncadd.s32 $0xFFFFC180;
	(pc) =	sbr.rel .LBB2_12-.Ltmp5, $4  }
0xbd: {  	[spmem:s2] =	stream.indirect.scatter.add.f32 [tilespmem:s21], [sflag:$0x3], $0x80, s31, s19, $0xb8;
	[tilespmem:$0x1E800] =	vst v63  }
0xbe: {  	_ =	swait.ge [sflag:s17], $0x3E80  }
0xbf: {  	[sflag:s17] =	ssyncset.done $0x0  }
0xc0: {  	s30 =	smov.u32 s5;
	s29 =	smov.u32 s1;
	[sflag:s17] =	ssyncadd.s32 $0xFFFFC180  }
.LBB2_7:
0xc1: {  	s0 =	simm.s32 $0x0  }
0xc2: {  	[tilespmem:s20], [sflag:$0x1] =	stream.indirect.gather [hbm4b:s6+s19], $0x80, s0, s19, $0xb8;
	[tilespmem:$0x1E800] =	vst v63  }
0xc3: {  	s4 =	simm.s32 $0x80;
	[bflag:$0x0] =	sbarrier.arrive $0xFFFF  }
0xc4: {  	[tilespmem:s21], [sflag:$0x2] =	stream.indirect.gather [hbm4b:s6+s19], $0x80, s4, s19, $0xb8;
	[tilespmem:$0x1E800] =	vst v63  }
0xc5: {  	_ =	swait.ge [sflag:s22], $0x3E80  }
0xc6: {  	[sflag:s22] =	ssyncset.done $0x0  }
0xc7: {  	s31 =	simm.s32 $0x1400;
	[sflag:s22] =	ssyncadd.s32 $0xFFFFC180  }
0xc8: {  	[spmem:s2] =	stream.indirect.scatter.add.f32 [tilespmem:s20], [sflag:$0x3], $0x80, s31, s19, $0xb8;
	[tilespmem:$0x1E800] =	vst v63  }
0xc9: {  	_ =	swait.ge [sflag:s17], $0x3E80  }
0xca: {  	[sflag:s17] =	ssyncset.done $0x0  }
0xcb: {  	s4 =	simm.s32 $0x100;
	[sflag:s17] =	ssyncadd.s32 $0xFFFFC180  }
0xcc: {  	[tilespmem:s20], [sflag:$0x1] =	stream.indirect.gather [hbm4b:s6+s19], $0x80, s4, s19, $0xb8;
	[tilespmem:$0x1E800] =	vst v63  }
0xcd: {  	_ =	swait.ge [sflag:s23], $0x3E80  }
0xce: {  	[sflag:s23] =	ssyncset.done $0x0  }
0xcf: {  	s31 =	simm.s32 $0x1480;
	[sflag:s23] =	ssyncadd.s32 $0xFFFFC180  }
0xd0: {  	[spmem:s2] =	stream.indirect.scatter.add.f32 [tilespmem:s21], [sflag:$0x3], $0x80, s31, s19, $0xb8;
	[tilespmem:$0x1E800] =	vst v63  }
0xd1: {  	_ =	swait.ge [sflag:s17], $0x3E80  }
0xd2: {  	s30 =	simm.s32 $0x800;
	s29 =	simm.s32 $0x100;
	[sflag:s17] =	ssyncset.done $0x0  }
.LBB2_8:
0xd3: {  	s0 =	sadd.s32 $0x80, s29  }
0xd4: {  	[sflag:s17] =	ssyncadd.s32 $0xFFFFC180;
	s4 =	smov.u32 s30;
	s31 =	sadd.s32 $0x400, s30  }
0xd5: {  	[tilespmem:s21], [sflag:$0x2] =	stream.indirect.gather [hbm4b:s6+s19], $0x80, s0, s19, $0xb8;
	[tilespmem:$0x1E800] =	vst v63  }
0xd6: {  	p1 =	sne.s32 s30, $0x4800;
	_ =	swait.ge [sflag:s22], $0x3E80  }
0xd7: {  	[sflag:s22] =	ssyncset.done $0x0  }
0xd8: {  	s0 =	sadd.s32 $0x1400, s29;
	[sflag:s22] =	ssyncadd.s32 $0xFFFFC180  }
0xd9: {  	[spmem:s2] =	stream.indirect.scatter.add.f32 [tilespmem:s20], [sflag:$0x3], $0x80, s0, s19, $0xb8;
	[tilespmem:$0x1E800] =	vst v63  }
0xda: {  	_ =	swait.ge [sflag:s17], $0x3E80  }
0xdb: {  	[sflag:s17] =	ssyncset.done $0x0  }
0xdc: {  	s0 =	sadd.s32 $0x100, s29;
	[sflag:s17] =	ssyncadd.s32 $0xFFFFC180  }
0xdd: {  	[tilespmem:s20], [sflag:$0x1] =	stream.indirect.gather [hbm4b:s6+s19], $0x80, s0, s19, $0xb8;
	[tilespmem:$0x1E800] =	vst v63  }
0xde: {  	_ =	swait.ge [sflag:s23], $0x3E80  }
.Ltmp6:
0xdf: {  	[sflag:s23] =	ssyncset.done $0x0;
	(pc) =	sbr.rel @p1 .LBB2_8-.Ltmp6, $4  }
0xe0: {  	s0 =	sadd.s32 $0x1480, s29;
	[sflag:s23] =	ssyncadd.s32 $0xFFFFC180  }
0xe1: {  	[spmem:s2] =	stream.indirect.scatter.add.f32 [tilespmem:s21], [sflag:$0x3], $0x80, s0, s19, $0xb8;
	[tilespmem:$0x1E800] =	vst v63  }
0xe2: {  	_ =	swait.ge [sflag:s17], $0x3E80  }
0xe3: {  	s30 =	smov.u32 s31;
	s29 =	sshra.s32 s4, $0x2;
	[sflag:s17] =	ssyncset.done $0x0  }
0xe4: {  	s0 =	sadd.s32 $0x80, s29;
	[sflag:s17] =	ssyncadd.s32 $0xFFFFC180  }
0xe5: {  	[tilespmem:s21], [sflag:$0x2] =	stream.indirect.gather [hbm4b:s6+s19], $0x80, s0, s19, $0xb8;
	[tilespmem:$0x1E800] =	vst v63  }
0xe6: {  	_ =	swait.ge [sflag:s22], $0x3E80  }
0xe7: {  	[sflag:s22] =	ssyncset.done $0x0  }
0xe8: {  	s4 =	sadd.s32 $0x1400, s29;
	[sflag:s22] =	ssyncadd.s32 $0xFFFFC180  }
0xe9: {  	[spmem:s2] =	stream.indirect.scatter.add.f32 [tilespmem:s20], [sflag:$0x3], $0x80, s4, s19, $0xb8;
	[tilespmem:$0x1E800] =	vst v63  }
0xea: {  	_ =	swait.ge [sflag:s17], $0x3E80  }
0xeb: {  	[sflag:s17] =	ssyncset.done $0x0  }
0xec: {  	s31 =	sadd.s32 $0x100, s29;
	[sflag:s17] =	ssyncadd.s32 $0xFFFFC180  }
0xed: {  	[tilespmem:s20], [sflag:$0x1] =	stream.indirect.gather [hbm4b:s6+s19], $0x80, s31, s19, $0xb8;
	[tilespmem:$0x1E800] =	vst v63  }
0xee: {  	_ =	swait.ge [sflag:s23], $0x3E80  }
0xef: {  	[sflag:s23] =	ssyncset.done $0x0  }
0xf0: {  	s4 =	sadd.s32 $0x1480, s29;
	[sflag:s23] =	ssyncadd.s32 $0xFFFFC180  }
0xf1: {  	[spmem:s2] =	stream.indirect.scatter.add.f32 [tilespmem:s21], [sflag:$0x3], $0x80, s4, s19, $0xb8;
	[tilespmem:$0x1E800] =	vst v63  }
0xf2: {  	_ =	swait.ge [sflag:s17], $0x3E80  }
0xf3: {  	[sflag:s17] =	ssyncset.done $0x0  }
0xf4: {  	[sflag:s17] =	ssyncadd.s32 $0xFFFFC180  }
0xf5: {  	[tilespmem:s21], [sflag:$0x2] =	stream.indirect.gather [hbm4b:s6+s19], $0x80, s24, s19, $0xb8;
	[tilespmem:$0x1E800] =	vst v63  }
0xf6: {  	_ =	swait.ge [sflag:s22], $0x3E80  }
0xf7: {  	[sflag:s22] =	ssyncset.done $0x0  }
0xf8: {  	[sflag:s22] =	ssyncadd.s32 $0xFFFFC180  }
0xf9: {  	[spmem:s2] =	stream.indirect.scatter.add.f32 [tilespmem:s20], [sflag:$0x3], $0x80, s25, s19, $0xb8;
	[tilespmem:$0x1E800] =	vst v63  }
0xfa: {  	_ =	swait.ge [sflag:s17], $0x3E80  }
0xfb: {  	[sflag:s17] =	ssyncset.done $0x0  }
0xfc: {  	[sflag:s17] =	ssyncadd.s32 $0xFFFFC180  }
0xfd: {  	_ =	swait.ge [sflag:s23], $0x3E80  }
0xfe: {  	[sflag:s23] =	ssyncset.done $0x0  }
0xff: {  	[sflag:s23] =	ssyncadd.s32 $0xFFFFC180  }
0x100: {  	[spmem:s2] =	stream.indirect.scatter.add.f32 [tilespmem:s21], [sflag:$0x3], $0x80, s26, s19, $0xb8;
	[tilespmem:$0x1E800] =	vst v63  }
0x101: {  	_ =	swait.ge [sflag:s17], $0x3E80  }
0x102: {  	[sflag:s17] =	ssyncset.done $0x0  }
0x103: {  	s31 =	simm.s32 $0x0;
	[sflag:s17] =	ssyncadd.s32 $0xFFFFC180  }
0x104: {  	[tilespmem:s31], [sflag:$0x3] =	stream.linear.gather [hbm4b:s13+s31], $0x1400, $0x38;
	[tilespmem:$0x1E800] =	vst v63  }
0x105: {  	_ =	swait.ge [sflag:s17], $0x1400  }
0x106: {  	[sflag:s17] =	ssyncset.done $0x0  }
0x107: {  	[sflag:s17] =	ssyncadd.s32 $0xFFFFEC00  }
0x108: {  	[tilespmem:s18], [sflag:$0x3] =	stream.linear.gather [hbm4b:s14+s31], $0x1400, $0x38;
	[tilespmem:$0x1E800] =	vst v63  }
0x109: {  	_ =	swait.ge [sflag:s17], $0x1400  }
0x10a: {  	[sflag:s17] =	ssyncset.done $0x0  }
0x10b: {  	[sflag:s17] =	ssyncadd.s32 $0xFFFFEC00  }
0x10c: {  	[tilespmem:s20], [sflag:$0x1] =	stream.indirect.gather [hbm4b:s6+s19], $0x80, s31, s19, $0xb8;
	[tilespmem:$0x1E800] =	vst v63  }
0x10d: {  	s4 =	simm.s32 $0x80  }
0x10e: {  	[tilespmem:s21], [sflag:$0x2] =	stream.indirect.gather [hbm4b:s6+s19], $0x80, s4, s19, $0xb8;
	[tilespmem:$0x1E800] =	vst v63  }
0x10f: {  	_ =	swait.ge [sflag:s22], $0x3E80  }
0x110: {  	[sflag:s22] =	ssyncset.done $0x0  }
0x111: {  	s31 =	simm.s32 $0x1400;
	[sflag:s22] =	ssyncadd.s32 $0xFFFFC180  }
0x112: {  	[spmem:s2] =	stream.indirect.scatter.add.f32 [tilespmem:s20], [sflag:$0x3], $0x80, s31, s19, $0xb8;
	[tilespmem:$0x1E800] =	vst v63  }
0x113: {  	_ =	swait.ge [sflag:s17], $0x3E80  }
0x114: {  	[sflag:s17] =	ssyncset.done $0x0  }
0x115: {  	s4 =	simm.s32 $0x100;
	[sflag:s17] =	ssyncadd.s32 $0xFFFFC180  }
0x116: {  	[tilespmem:s20], [sflag:$0x1] =	stream.indirect.gather [hbm4b:s6+s19], $0x80, s4, s19, $0xb8;
	[tilespmem:$0x1E800] =	vst v63  }
0x117: {  	_ =	swait.ge [sflag:s23], $0x3E80  }
0x118: {  	[sflag:s23] =	ssyncset.done $0x0  }
0x119: {  	s31 =	simm.s32 $0x1480;
	[sflag:s23] =	ssyncadd.s32 $0xFFFFC180  }
0x11a: {  	[spmem:s2] =	stream.indirect.scatter.add.f32 [tilespmem:s21], [sflag:$0x3], $0x80, s31, s19, $0xb8;
	[tilespmem:$0x1E800] =	vst v63  }
0x11b: {  	_ =	swait.ge [sflag:s17], $0x3E80  }
0x11c: {  	s30 =	simm.s32 $0x800;
	s29 =	simm.s32 $0x100;
	[sflag:s17] =	ssyncset.done $0x0  }
.LBB2_10:
0x11d: {  	s0 =	sadd.s32 $0x80, s29  }
0x11e: {  	[sflag:s17] =	ssyncadd.s32 $0xFFFFC180;
	s4 =	smov.u32 s30;
	s31 =	sadd.s32 $0x400, s30  }
0x11f: {  	[tilespmem:s21], [sflag:$0x2] =	stream.indirect.gather [hbm4b:s6+s19], $0x80, s0, s19, $0xb8;
	[tilespmem:$0x1E800] =	vst v63  }
0x120: {  	p1 =	sne.s32 s30, $0x4800;
	_ =	swait.ge [sflag:s22], $0x3E80  }
0x121: {  	[sflag:s22] =	ssyncset.done $0x0  }
0x122: {  	s0 =	sadd.s32 $0x1400, s29;
	[sflag:s22] =	ssyncadd.s32 $0xFFFFC180  }
0x123: {  	[spmem:s2] =	stream.indirect.scatter.add.f32 [tilespmem:s20], [sflag:$0x3], $0x80, s0, s19, $0xb8;
	[tilespmem:$0x1E800] =	vst v63  }
0x124: {  	_ =	swait.ge [sflag:s17], $0x3E80  }
0x125: {  	[sflag:s17] =	ssyncset.done $0x0  }
0x126: {  	s0 =	sadd.s32 $0x100, s29;
	[sflag:s17] =	ssyncadd.s32 $0xFFFFC180  }
0x127: {  	[tilespmem:s20], [sflag:$0x1] =	stream.indirect.gather [hbm4b:s6+s19], $0x80, s0, s19, $0xb8;
	[tilespmem:$0x1E800] =	vst v63  }
0x128: {  	_ =	swait.ge [sflag:s23], $0x3E80  }
.Ltmp7:
0x129: {  	[sflag:s23] =	ssyncset.done $0x0;
	(pc) =	sbr.rel @p1 .LBB2_10-.Ltmp7, $4  }
0x12a: {  	s0 =	sadd.s32 $0x1480, s29;
	[sflag:s23] =	ssyncadd.s32 $0xFFFFC180  }
0x12b: {  	[spmem:s2] =	stream.indirect.scatter.add.f32 [tilespmem:s21], [sflag:$0x3], $0x80, s0, s19, $0xb8;
	[tilespmem:$0x1E800] =	vst v63  }
0x12c: {  	_ =	swait.ge [sflag:s17], $0x3E80  }
0x12d: {  	s30 =	smov.u32 s31;
	s29 =	sshra.s32 s4, $0x2;
	[sflag:s17] =	ssyncset.done $0x0  }
.Ltmp8:
0x12e: {  	_ = 	snop;
	(pc) =	sbr.rel .LBB2_11-.Ltmp8, $1  }
0x12f: {  	_ =	sdelay $0x3  }
.LBB2_13:
0x130: {  	_ =	sfence.sel $0x180000  }
0x131: {  	[bflag:$0x0] =	sbarrier.arrive $0xFFFF  }
0x132: {  	_ =	strace $0x90000047  }
0x133: {  	s0 =	stileid.u32;
	[bflag:$0x2] =	sbarrier.arrive $0xFFFF  }
0x134: {  	p0 =	sne.s32 s0, $0x0;
	s0 =	rddreg [dreg:$0x3]  }
0x135: {  	s0 =	sadd.s32 @!p0 $0x100000, s0  }
0x136: {  	[sflag:s0] =	ssyncadd.tile.s32 @!p0 $0x1;
	_ =	shalt  }
.Lfunc_end2:
_tile_overlayer_lowered:
.L_overlay_start_2:
0x137: {  	(tag) =	ssettag $0x2  }
0x138: {  	s0 =	rddreg [dreg:$0x0];
	s2 =	stileid.u32  }
0x139: {  	s1 =	rddreg [dreg:$0x1];
	p0 =	sne.s32 s2, $0x0  }
0x13a: {  	s3 =	rddreg [dreg:$0x2];
	[bflag:$0x3] =	sbarrier.arrive $0xFFFF;
	s2 =	simm.s32 @!p0 $0x1C03  }
0x13b: {  	[timem:s3], [sflag:s2] =	dma.local @!p0 [hbm:s0], s1  }
0x13c: {  	s0 =	simm.s32 @!p0 $0x3  }
0x13d: {  	_ =	swait.ge @!p0 [sflag:s0], s1  }
0x13e: {  	s1 =	ssub.s32 @!p0 $0x0, s1;
	[sflag:s0] =	ssyncset.done @!p0 $0x0  }
0x13f: {  	[sflag:s0] =	ssyncadd.s32 @!p0 s1  }
0x140: {  	[bflag:$0x3] =	sbarrier.arrive $0xFFFF  }
0x141: {  	_ =	shalt  }

</sc_bundles>
